<compile_context>
chip_gen: v7x
topology: tpu7x:2x2x1
jax: 0.10.2.dev20260603
libtpu: 0.0.44.dev20260713+nightly
codegen_flags: <defaults>
</compile_context>

<pallas_src>
import jax
import jax.numpy as jnp
from jax import lax
from jax.experimental import pallas as pl
from jax.experimental.pallas import tpu as pltpu
from jax.experimental.pallas import tpu_sc as plsc

N = 10000
E = 320000
NFEAT = 128
NCLASS = 40

NC, NS = 2, 16
NW = NC * NS
CHUNK = 128
NCHUNKS = 80
EPW = NCHUNKS * CHUNK
EP = EPW * NW
NC2 = NCHUNKS // 2
NP = 10112
ZROWS = NP // NS
ZBLK = ZROWS // CHUNK
ZREM = ZROWS % CHUNK
CW = 128

_f32 = jnp.float32

_MESH = plsc.VectorSubcoreMesh(core_axis_name="c", subcore_axis_name="s",
                               num_cores=NC, num_subcores=NS)


def _sc_agg_body(x_hbm, src_hbm, dst_hbm, agg_out,
                 src0, dst0, src1, dst1, rows0, rows1, agg_sh, sg0, sg1):
    cid = lax.axis_index("c")
    sid = lax.axis_index("s")
    wid = sid * NC + cid

    srcb = (src0, src1)
    dstb = (dst0, dst1)
    rows = (rows0, rows1)
    sg = (sg0, sg1)

    def zrow(i, _):
        for j in range(NFEAT // 16):
            rows0[i, pl.ds(j * 16, 16)] = jnp.zeros((16,), _f32)
        return 0
    lax.fori_loop(0, CHUNK, zrow, 0)

    zbase = sid * ZROWS
    for b in range(ZBLK):
        pltpu.sync_copy(rows0, agg_sh.at[pl.ds(zbase + b * CHUNK, CHUNK)])
    if ZREM:
        pltpu.sync_copy(rows0.at[pl.ds(0, ZREM)],
                        agg_sh.at[pl.ds(zbase + ZBLK * CHUNK, ZREM)])
    plsc.subcore_barrier()

    ebase = wid * EPW

    pltpu.sync_copy(src_hbm.at[pl.ds(ebase, CHUNK)], src0)
    pltpu.sync_copy(dst_hbm.at[pl.ds(ebase, CHUNK)], dst0)
    pltpu.async_copy(x_hbm.at[src0], rows0, sg0)

    def pair_body(c2, _):
        for p in (0, 1):
            q = 1 - p
            c = 2 * c2 + p
            pltpu.make_async_copy(x_hbm.at[srcb[p]], rows[p], sg[p]).wait()

            def _start_next():
                off = ebase + (c + 1) * CHUNK
                pltpu.sync_copy(src_hbm.at[pl.ds(off, CHUNK)], srcb[q])
                pltpu.sync_copy(dst_hbm.at[pl.ds(off, CHUNK)], dstb[q])
                pltpu.async_copy(x_hbm.at[srcb[q]], rows[q], sg[q])
            if p == 0:
                _start_next()
            else:
                pl.when(c2 < NC2 - 1)(_start_next)

            pltpu.sync_copy(rows[p], agg_sh.at[dstb[p]], add=True)
        return 0
    lax.fori_loop(0, NC2, pair_body, 0)

    plsc.subcore_barrier()
    pltpu.sync_copy(agg_sh.at[pl.ds(sid * ZROWS, ZROWS)],
                    agg_out.at[pl.ds(cid * NP + sid * ZROWS, ZROWS)])


_sc_agg = pl.kernel(
    _sc_agg_body,
    out_type=jax.ShapeDtypeStruct((NC * NP, NFEAT), _f32),
    mesh=_MESH,
    scratch_types=(
        pltpu.VMEM((CHUNK,), jnp.int32),
        pltpu.VMEM((CHUNK,), jnp.int32),
        pltpu.VMEM((CHUNK,), jnp.int32),
        pltpu.VMEM((CHUNK,), jnp.int32),
        pltpu.VMEM((CHUNK, NFEAT), _f32),
        pltpu.VMEM((CHUNK, NFEAT), _f32),
        pltpu.VMEM_SHARED((NP, NFEAT), _f32),
        pltpu.SemaphoreType.DMA,
        pltpu.SemaphoreType.DMA,
    ),
)


def _sc_cnt_body(eidx_hbm, cnt_out, ib0, ib1, ones, zeros, cnt_sh, ss0, ss1):
    cid = lax.axis_index("c")
    sid = lax.axis_index("s")
    wid = sid * NC + cid

    ib = (ib0, ib1)
    ss = (ss0, ss1)

    def zrow(i, _):
        for j in range(CW // 16):
            ones[i, pl.ds(j * 16, 16)] = jnp.ones((16,), _f32)
            zeros[i, pl.ds(j * 16, 16)] = jnp.zeros((16,), _f32)
        return 0
    lax.fori_loop(0, CHUNK, zrow, 0)

    zbase = sid * ZROWS
    for b in range(ZBLK):
        pltpu.sync_copy(zeros, cnt_sh.at[pl.ds(zbase + b * CHUNK, CHUNK)])
    if ZREM:
        pltpu.sync_copy(zeros.at[pl.ds(0, ZREM)],
                        cnt_sh.at[pl.ds(zbase + ZBLK * CHUNK, ZREM)])
    plsc.subcore_barrier()

    rbase = wid * NCHUNKS * 2

    pltpu.sync_copy(eidx_hbm.at[pl.ds(rbase, 2)], ib0)
    pltpu.async_copy(ones, cnt_sh.at[ib0.at[1]], ss0, add=True)

    def pair_body(c2, _):
        for p in (0, 1):
            q = 1 - p
            c = 2 * c2 + p

            def _launch():
                pltpu.sync_copy(eidx_hbm.at[pl.ds(rbase + (c + 1) * 2, 2)],
                                ib[q])
                pltpu.async_copy(ones, cnt_sh.at[ib[q].at[1]], ss[q],
                                 add=True)
            if p == 0:
                _launch()
            else:
                pl.when(c2 < NC2 - 1)(_launch)

            pltpu.make_async_copy(ones, cnt_sh.at[ib[p].at[1]],
                                  ss[p]).wait()
        return 0
    lax.fori_loop(0, NC2, pair_body, 0)

    plsc.subcore_barrier()
    pltpu.sync_copy(cnt_sh.at[pl.ds(sid * ZROWS, ZROWS)],
                    cnt_out.at[pl.ds(cid * NP + sid * ZROWS, ZROWS)])


_sc_cnt = pl.kernel(
    _sc_cnt_body,
    out_type=jax.ShapeDtypeStruct((NC * NP, CW), _f32),
    mesh=_MESH,
    scratch_types=(
        pltpu.VMEM((2, CHUNK), jnp.int32),
        pltpu.VMEM((2, CHUNK), jnp.int32),
        pltpu.VMEM((CHUNK, CW), _f32),
        pltpu.VMEM((CHUNK, CW), _f32),
        pltpu.VMEM_SHARED((NP, CW), _f32),
        pltpu.SemaphoreType.DMA,
        pltpu.SemaphoreType.DMA,
    ),
)


def _tc_layer1_body(x_ref, agg_ref, cnt_ref, w1lt, b1l, w1rt, gamma, beta,
                    out_ref):
    agg = agg_ref[0:NP, :] + agg_ref[NP:2 * NP, :]
    cnt = cnt_ref[0:NP, 0:1] + cnt_ref[NP:2 * NP, 0:1]
    mean = agg / jnp.maximum(cnt, 1.0)
    out = (jnp.dot(mean, w1lt[...], preferred_element_type=_f32) + b1l[...]
           + jnp.dot(x_ref[...], w1rt[...], preferred_element_type=_f32))
    nrm = jnp.sqrt(jnp.sum(out * out, axis=1, keepdims=True))
    out = out / jnp.maximum(nrm, 1e-12)
    h = jnp.maximum(out, 0.0)
    mask = lax.broadcasted_iota(jnp.int32, (NP, 1), 0) < N
    h = jnp.where(mask, h, 0.0)
    mu = jnp.sum(h, axis=0, keepdims=True) * (1.0 / N)
    d = jnp.where(mask, h - mu, 0.0)
    var = jnp.sum(d * d, axis=0, keepdims=True) * (1.0 / N)
    hn = (h - mu) / jnp.sqrt(var + 1e-5) * gamma[...] + beta[...]
    out_ref[...] = jnp.where(mask, hn, 0.0)


_tc_layer1 = pl.pallas_call(
    _tc_layer1_body,
    out_shape=jax.ShapeDtypeStruct((NP, NFEAT), _f32),
)


def _tc_layer2_body(h_ref, agg_ref, cnt_ref, w2lt, b2l, w2rt, wft, bf,
                    out_ref):
    agg = agg_ref[0:NP, :] + agg_ref[NP:2 * NP, :]
    cnt = cnt_ref[0:NP, 0:1] + cnt_ref[NP:2 * NP, 0:1]
    mean = agg / jnp.maximum(cnt, 1.0)
    out = (jnp.dot(mean, w2lt[...], preferred_element_type=_f32) + b2l[...]
           + jnp.dot(h_ref[...], w2rt[...], preferred_element_type=_f32))
    nrm = jnp.sqrt(jnp.sum(out * out, axis=1, keepdims=True))
    out = out / jnp.maximum(nrm, 1e-12)
    out_ref[...] = jnp.dot(out, wft[...], preferred_element_type=_f32) + bf[...]


_tc_layer2 = pl.pallas_call(
    _tc_layer2_body,
    out_shape=jax.ShapeDtypeStruct((NP, NCLASS), _f32),
)


def kernel(x, edge_index, W1l, b1l, W1r, gamma, beta, W2l, b2l, W2r, Wf, bf):
    src = jnp.concatenate(
        [edge_index[0], jnp.zeros((EP - E,), jnp.int32)])
    dst = jnp.concatenate(
        [edge_index[1],
         (N + jnp.arange(EP - E, dtype=jnp.int32) % (NP - N))])
    eidx = jnp.stack([src.reshape(NW, NCHUNKS, CHUNK),
                      dst.reshape(NW, NCHUNKS, CHUNK)],
                     axis=2).reshape(NW * NCHUNKS * 2, CHUNK)
    x_p = jnp.concatenate([x, jnp.zeros((NP - N, NFEAT), _f32)])

    cnt = _sc_cnt(eidx)
    agg1 = _sc_agg(x_p, src, dst)
    h = _tc_layer1(x_p, agg1, cnt, W1l.T, b1l[None], W1r.T,
                   gamma[None], beta[None])
    agg2 = _sc_agg(h, src, dst)
    out = _tc_layer2(h, agg2, cnt, W2l.T, b2l[None], W2r.T, Wf.T, bf[None])
    return out[:N]

# --- scband reference (transcript-rebuilt; emitter-appended) ---
"""Pipeline reference for scband-sage-59846074302982 (READ-ONLY COPY).

The authoritative reference and input builder live on the scoring server;
editing this copy changes nothing except your own understanding.
"""

import jax, jax.numpy as jnp
import numpy as np

N = 10000
E = 320000
NFEAT = 128
NHID = 128
NCLASS = 40


def _xavier(key, shape):
    fan_out, fan_in = shape
    bound = float(np.sqrt(6.0 / (fan_in + fan_out)))
    return jax.random.uniform(key, shape, jnp.float32, -bound, bound)


def setup_inputs(seed: int = 0) -> dict:
    key = jax.random.key(seed)
    ks = jax.random.split(key, 10)
    x = jax.random.normal(ks[0], (N, NFEAT), jnp.float32)
    edge_index = jax.random.randint(ks[1], (2, E), 0, N, dtype=jnp.int32)
    W1l = _xavier(ks[2], (NHID, NFEAT))
    b1l = jnp.zeros((NHID,), jnp.float32)
    W1r = _xavier(ks[3], (NHID, NFEAT))
    gamma = jnp.ones((NHID,), jnp.float32)
    beta = jnp.zeros((NHID,), jnp.float32)
    W2l = _xavier(ks[4], (NHID, NHID))
    b2l = jnp.zeros((NHID,), jnp.float32)
    W2r = _xavier(ks[5], (NHID, NHID))
    Wf = _xavier(ks[6], (NCLASS, NHID))
    bf = jnp.zeros((NCLASS,), jnp.float32)
    return {"x": x, "edge_index": edge_index, "W1l": W1l, "b1l": b1l,
            "W1r": W1r, "gamma": gamma, "beta": beta, "W2l": W2l,
            "b2l": b2l, "W2r": W2r, "Wf": Wf, "bf": bf}


def _sage_conv(x, edge_index, Wl, bl, Wr):
    # PyG SAGEConv with aggr='mean', normalize=True, root_weight=True
    src = edge_index[0]
    dst = edge_index[1]
    msg = jnp.take(x, src, axis=0)
    agg = jax.ops.segment_sum(msg, dst, num_segments=N)
    cnt = jax.ops.segment_sum(jnp.ones((edge_index.shape[1],), x.dtype), dst,
                              num_segments=N)
    mean = agg / jnp.clip(cnt, 1.0)[:, None]
    out = mean @ Wl.T + bl + x @ Wr.T
    nrm = jnp.linalg.norm(out, axis=-1, keepdims=True)
    return out / jnp.maximum(nrm, 1e-12)


def reference(x, edge_index, W1l, b1l, W1r, gamma, beta, W2l, b2l, W2r, Wf, bf):
    h = _sage_conv(x, edge_index, W1l, b1l, W1r)
    # transition: ReLU -> BatchNorm1d (batch stats) -> Dropout (identity at eval)
    h = jax.nn.relu(h)
    mu = jnp.mean(h, axis=0)
    var = jnp.var(h, axis=0)
    h = (h - mu) / jnp.sqrt(var + 1e-5) * gamma + beta
    h = _sage_conv(h, edge_index, W2l, b2l, W2r)
    return h @ Wf.T + bf

if __name__ == "__main__":
    import jax
    _d = setup_inputs()
    print(jax.jit(kernel)(*tuple(_d.values())))

</pallas_src>

<mosaic_0001>
#map = affine_map<(d0, d1) -> (0, 0)>
module attributes {stable_mosaic.version = 14 : i64} {
  func.func @_sc_cnt_body(%arg0: i32, %arg1: i32, %arg2: memref<5120x128xi32, #tpu.memory_space<hbm>>, %arg3: memref<20224x128xf32, #tpu.memory_space<hbm>>, %arg4: memref<2x128xi32, #tpu.memory_space<vmem>>, %arg5: memref<2x128xi32, #tpu.memory_space<vmem>>, %arg6: memref<128x128xf32, #tpu.memory_space<vmem>>, %arg7: memref<128x128xf32, #tpu.memory_space<vmem>>, %arg8: memref<10112x128xf32, #tpu.memory_space<vmem_shared>>, %arg9: memref<!tpu.dma_semaphore, #tpu.memory_space<semaphore_mem>>, %arg10: memref<!tpu.dma_semaphore, #tpu.memory_space<semaphore_mem>>) attributes {dimension_semantics = [#tpu.dimension_semantics<core_parallel>, #tpu.dimension_semantics<subcore_parallel>], iteration_bounds = array<i64: 2, 16>, scalar_prefetch = 0 : i64, scratch_operands = 7 : i64, tpu.core_type = #tpu.core_type<sc_vector_subcore>, window_params = [{transform_indices = #map}, {transform_indices = #map}]} {
    %mul3A = arith.constant 2 : i32
    %mul3A_0 = arith.muli %arg1, %mul3A : i32
    %add3A = arith.addi %mul3A_0, %arg0 : i32
    %scan3A = arith.constant 0 : i32
    %scan3A_1 = arith.constant 0 : i32
    %scan3A_2 = arith.constant 128 : i32
    %scan3A_3 = arith.addi %scan3A_1, %scan3A_2 : i32
    %scan3A_4 = arith.constant 1 : i32
    %scan3A_5 = scf.for %scan3A_44 = %scan3A_1 to %scan3A_3 step %scan3A_4 iter_args(%scan3A_45 = %scan3A) -> (i32)  : i32 {
      %broadcast_in_dim3A = arith.constant 1.000000e+00 : f32
      %broadcast_in_dim3A_46 = vector.broadcast %broadcast_in_dim3A : f32 to vector<16xf32>
      %swap3A = arith.index_cast %scan3A_44 : i32 to index
      %swap3A_47 = arith.constant 0 : index
      %swap3A_48 = tpu.vector_load %arg6[%swap3A, %swap3A_47] {strides = array<i32>} : memref<128x128xf32, #tpu.memory_space<vmem>>, vector<1x16xf32>,
      %swap3A_49 = vector.shape_cast %swap3A_48 : vector<1x16xf32> to vector<16xf32>
      %swap3A_50 = vector.shape_cast %broadcast_in_dim3A_46 : vector<16xf32> to vector<1x16xf32>
      tpu.vector_store %arg6[%swap3A, %swap3A_47], %swap3A_50 {strides = array<i32>} : memref<128x128xf32, #tpu.memory_space<vmem>>, vector<1x16xf32>,
      %broadcast_in_dim3A_51 = arith.constant 0.000000e+00 : f32
      %broadcast_in_dim3A_52 = vector.broadcast %broadcast_in_dim3A_51 : f32 to vector<16xf32>
      %swap3A_53 = arith.index_cast %scan3A_44 : i32 to index
      %swap3A_54 = arith.constant 0 : index
      %swap3A_55 = tpu.vector_load %arg7[%swap3A_53, %swap3A_54] {strides = array<i32>} : memref<128x128xf32, #tpu.memory_space<vmem>>, vector<1x16xf32>,
      %swap3A_56 = vector.shape_cast %swap3A_55 : vector<1x16xf32> to vector<16xf32>
      %swap3A_57 = vector.shape_cast %broadcast_in_dim3A_52 : vector<16xf32> to vector<1x16xf32>
      tpu.vector_store %arg7[%swap3A_53, %swap3A_54], %swap3A_57 {strides = array<i32>} : memref<128x128xf32, #tpu.memory_space<vmem>>, vector<1x16xf32>,
      %broadcast_in_dim3A_58 = arith.constant 1.000000e+00 : f32
      %broadcast_in_dim3A_59 = vector.broadcast %broadcast_in_dim3A_58 : f32 to vector<16xf32>
      %swap3A_60 = arith.index_cast %scan3A_44 : i32 to index
      %swap3A_61 = arith.constant 16 : index
      %swap3A_62 = tpu.vector_load %arg6[%swap3A_60, %swap3A_61] {strides = array<i32>} : memref<128x128xf32, #tpu.memory_space<vmem>>, vector<1x16xf32>,
      %swap3A_63 = vector.shape_cast %swap3A_62 : vector<1x16xf32> to vector<16xf32>
      %swap3A_64 = vector.shape_cast %broadcast_in_dim3A_59 : vector<16xf32> to vector<1x16xf32>
      tpu.vector_store %arg6[%swap3A_60, %swap3A_61], %swap3A_64 {strides = array<i32>} : memref<128x128xf32, #tpu.memory_space<vmem>>, vector<1x16xf32>,
      %broadcast_in_dim3A_65 = arith.constant 0.000000e+00 : f32
      %broadcast_in_dim3A_66 = vector.broadcast %broadcast_in_dim3A_65 : f32 to vector<16xf32>
      %swap3A_67 = arith.index_cast %scan3A_44 : i32 to index
      %swap3A_68 = arith.constant 16 : index
      %swap3A_69 = tpu.vector_load %arg7[%swap3A_67, %swap3A_68] {strides = array<i32>} : memref<128x128xf32, #tpu.memory_space<vmem>>, vector<1x16xf32>,
      %swap3A_70 = vector.shape_cast %swap3A_69 : vector<1x16xf32> to vector<16xf32>
      %swap3A_71 = vector.shape_cast %broadcast_in_dim3A_66 : vector<16xf32> to vector<1x16xf32>
      tpu.vector_store %arg7[%swap3A_67, %swap3A_68], %swap3A_71 {strides = array<i32>} : memref<128x128xf32, #tpu.memory_space<vmem>>, vector<1x16xf32>,
      %broadcast_in_dim3A_72 = arith.constant 1.000000e+00 : f32
      %broadcast_in_dim3A_73 = vector.broadcast %broadcast_in_dim3A_72 : f32 to vector<16xf32>
      %swap3A_74 = arith.index_cast %scan3A_44 : i32 to index
      %swap3A_75 = arith.constant 32 : index
      %swap3A_76 = tpu.vector_load %arg6[%swap3A_74, %swap3A_75] {strides = array<i32>} : memref<128x128xf32, #tpu.memory_space<vmem>>, vector<1x16xf32>,
      %swap3A_77 = vector.shape_cast %swap3A_76 : vector<1x16xf32> to vector<16xf32>
      %swap3A_78 = vector.shape_cast %broadcast_in_dim3A_73 : vector<16xf32> to vector<1x16xf32>
      tpu.vector_store %arg6[%swap3A_74, %swap3A_75], %swap3A_78 {strides = array<i32>} : memref<128x128xf32, #tpu.memory_space<vmem>>, vector<1x16xf32>,
      %broadcast_in_dim3A_79 = arith.constant 0.000000e+00 : f32
      %broadcast_in_dim3A_80 = vector.broadcast %broadcast_in_dim3A_79 : f32 to vector<16xf32>
      %swap3A_81 = arith.index_cast %scan3A_44 : i32 to index
      %swap3A_82 = arith.constant 32 : index
      %swap3A_83 = tpu.vector_load %arg7[%swap3A_81, %swap3A_82] {strides = array<i32>} : memref<128x128xf32, #tpu.memory_space<vmem>>, vector<1x16xf32>,
      %swap3A_84 = vector.shape_cast %swap3A_83 : vector<1x16xf32> to vector<16xf32>
      %swap3A_85 = vector.shape_cast %broadcast_in_dim3A_80 : vector<16xf32> to vector<1x16xf32>
      tpu.vector_store %arg7[%swap3A_81, %swap3A_82], %swap3A_85 {strides = array<i32>} : memref<128x128xf32, #tpu.memory_space<vmem>>, vector<1x16xf32>,
      %broadcast_in_dim3A_86 = arith.constant 1.000000e+00 : f32
      %broadcast_in_dim3A_87 = vector.broadcast %broadcast_in_dim3A_86 : f32 to vector<16xf32>
      %swap3A_88 = arith.index_cast %scan3A_44 : i32 to index
      %swap3A_89 = arith.constant 48 : index
      %swap3A_90 = tpu.vector_load %arg6[%swap3A_88, %swap3A_89] {strides = array<i32>} : memref<128x128xf32, #tpu.memory_space<vmem>>, vector<1x16xf32>,
      %swap3A_91 = vector.shape_cast %swap3A_90 : vector<1x16xf32> to vector<16xf32>
      %swap3A_92 = vector.shape_cast %broadcast_in_dim3A_87 : vector<16xf32> to vector<1x16xf32>
      tpu.vector_store %arg6[%swap3A_88, %swap3A_89], %swap3A_92 {strides = array<i32>} : memref<128x128xf32, #tpu.memory_space<vmem>>, vector<1x16xf32>,
      %broadcast_in_dim3A_93 = arith.constant 0.000000e+00 : f32
      %broadcast_in_dim3A_94 = vector.broadcast %broadcast_in_dim3A_93 : f32 to vector<16xf32>
      %swap3A_95 = arith.index_cast %scan3A_44 : i32 to index
      %swap3A_96 = arith.constant 48 : index
      %swap3A_97 = tpu.vector_load %arg7[%swap3A_95, %swap3A_96] {strides = array<i32>} : memref<128x128xf32, #tpu.memory_space<vmem>>, vector<1x16xf32>,
      %swap3A_98 = vector.shape_cast %swap3A_97 : vector<1x16xf32> to vector<16xf32>
      %swap3A_99 = vector.shape_cast %broadcast_in_dim3A_94 : vector<16xf32> to vector<1x16xf32>
      tpu.vector_store %arg7[%swap3A_95, %swap3A_96], %swap3A_99 {strides = array<i32>} : memref<128x128xf32, #tpu.memory_space<vmem>>, vector<1x16xf32>,
      %broadcast_in_dim3A_100 = arith.constant 1.000000e+00 : f32
      %broadcast_in_dim3A_101 = vector.broadcast %broadcast_in_dim3A_100 : f32 to vector<16xf32>
      %swap3A_102 = arith.index_cast %scan3A_44 : i32 to index
      %swap3A_103 = arith.constant 64 : index
      %swap3A_104 = tpu.vector_load %arg6[%swap3A_102, %swap3A_103] {strides = array<i32>} : memref<128x128xf32, #tpu.memory_space<vmem>>, vector<1x16xf32>,
      %swap3A_105 = vector.shape_cast %swap3A_104 : vector<1x16xf32> to vector<16xf32>
      %swap3A_106 = vector.shape_cast %broadcast_in_dim3A_101 : vector<16xf32> to vector<1x16xf32>
      tpu.vector_store %arg6[%swap3A_102, %swap3A_103], %swap3A_106 {strides = array<i32>} : memref<128x128xf32, #tpu.memory_space<vmem>>, vector<1x16xf32>,
      %broadcast_in_dim3A_107 = arith.constant 0.000000e+00 : f32
      %broadcast_in_dim3A_108 = vector.broadcast %broadcast_in_dim3A_107 : f32 to vector<16xf32>
      %swap3A_109 = arith.index_cast %scan3A_44 : i32 to index
      %swap3A_110 = arith.constant 64 : index
      %swap3A_111 = tpu.vector_load %arg7[%swap3A_109, %swap3A_110] {strides = array<i32>} : memref<128x128xf32, #tpu.memory_space<vmem>>, vector<1x16xf32>,
      %swap3A_112 = vector.shape_cast %swap3A_111 : vector<1x16xf32> to vector<16xf32>
      %swap3A_113 = vector.shape_cast %broadcast_in_dim3A_108 : vector<16xf32> to vector<1x16xf32>
      tpu.vector_store %arg7[%swap3A_109, %swap3A_110], %swap3A_113 {strides = array<i32>} : memref<128x128xf32, #tpu.memory_space<vmem>>, vector<1x16xf32>,
      %broadcast_in_dim3A_114 = arith.constant 1.000000e+00 : f32
      %broadcast_in_dim3A_115 = vector.broadcast %broadcast_in_dim3A_114 : f32 to vector<16xf32>
      %swap3A_116 = arith.index_cast %scan3A_44 : i32 to index
      %swap3A_117 = arith.constant 80 : index
      %swap3A_118 = tpu.vector_load %arg6[%swap3A_116, %swap3A_117] {strides = array<i32>} : memref<128x128xf32, #tpu.memory_space<vmem>>, vector<1x16xf32>,
      %swap3A_119 = vector.shape_cast %swap3A_118 : vector<1x16xf32> to vector<16xf32>
      %swap3A_120 = vector.shape_cast %broadcast_in_dim3A_115 : vector<16xf32> to vector<1x16xf32>
      tpu.vector_store %arg6[%swap3A_116, %swap3A_117], %swap3A_120 {strides = array<i32>} : memref<128x128xf32, #tpu.memory_space<vmem>>, vector<1x16xf32>,
      %broadcast_in_dim3A_121 = arith.constant 0.000000e+00 : f32
      %broadcast_in_dim3A_122 = vector.broadcast %broadcast_in_dim3A_121 : f32 to vector<16xf32>
      %swap3A_123 = arith.index_cast %scan3A_44 : i32 to index
      %swap3A_124 = arith.constant 80 : index
      %swap3A_125 = tpu.vector_load %arg7[%swap3A_123, %swap3A_124] {strides = array<i32>} : memref<128x128xf32, #tpu.memory_space<vmem>>, vector<1x16xf32>,
      %swap3A_126 = vector.shape_cast %swap3A_125 : vector<1x16xf32> to vector<16xf32>
      %swap3A_127 = vector.shape_cast %broadcast_in_dim3A_122 : vector<16xf32> to vector<1x16xf32>
      tpu.vector_store %arg7[%swap3A_123, %swap3A_124], %swap3A_127 {strides = array<i32>} : memref<128x128xf32, #tpu.memory_space<vmem>>, vector<1x16xf32>,
      %broadcast_in_dim3A_128 = arith.constant 1.000000e+00 : f32
      %broadcast_in_dim3A_129 = vector.broadcast %broadcast_in_dim3A_128 : f32 to vector<16xf32>
      %swap3A_130 = arith.index_cast %scan3A_44 : i32 to index
      %swap3A_131 = arith.constant 96 : index
      %swap3A_132 = tpu.vector_load %arg6[%swap3A_130, %swap3A_131] {strides = array<i32>} : memref<128x128xf32, #tpu.memory_space<vmem>>, vector<1x16xf32>,
      %swap3A_133 = vector.shape_cast %swap3A_132 : vector<1x16xf32> to vector<16xf32>
      %swap3A_134 = vector.shape_cast %broadcast_in_dim3A_129 : vector<16xf32> to vector<1x16xf32>
      tpu.vector_store %arg6[%swap3A_130, %swap3A_131], %swap3A_134 {strides = array<i32>} : memref<128x128xf32, #tpu.memory_space<vmem>>, vector<1x16xf32>,
      %broadcast_in_dim3A_135 = arith.constant 0.000000e+00 : f32
      %broadcast_in_dim3A_136 = vector.broadcast %broadcast_in_dim3A_135 : f32 to vector<16xf32>
      %swap3A_137 = arith.index_cast %scan3A_44 : i32 to index
      %swap3A_138 = arith.constant 96 : index
      %swap3A_139 = tpu.vector_load %arg7[%swap3A_137, %swap3A_138] {strides = array<i32>} : memref<128x128xf32, #tpu.memory_space<vmem>>, vector<1x16xf32>,
      %swap3A_140 = vector.shape_cast %swap3A_139 : vector<1x16xf32> to vector<16xf32>
      %swap3A_141 = vector.shape_cast %broadcast_in_dim3A_136 : vector<16xf32> to vector<1x16xf32>
      tpu.vector_store %arg7[%swap3A_137, %swap3A_138], %swap3A_141 {strides = array<i32>} : memref<128x128xf32, #tpu.memory_space<vmem>>, vector<1x16xf32>,
      %broadcast_in_dim3A_142 = arith.constant 1.000000e+00 : f32
      %broadcast_in_dim3A_143 = vector.broadcast %broadcast_in_dim3A_142 : f32 to vector<16xf32>
      %swap3A_144 = arith.index_cast %scan3A_44 : i32 to index
      %swap3A_145 = arith.constant 112 : index
      %swap3A_146 = tpu.vector_load %arg6[%swap3A_144, %swap3A_145] {strides = array<i32>} : memref<128x128xf32, #tpu.memory_space<vmem>>, vector<1x16xf32>,
      %swap3A_147 = vector.shape_cast %swap3A_146 : vector<1x16xf32> to vector<16xf32>
      %swap3A_148 = vector.shape_cast %broadcast_in_dim3A_143 : vector<16xf32> to vector<1x16xf32>
      tpu.vector_store %arg6[%swap3A_144, %swap3A_145], %swap3A_148 {strides = array<i32>} : memref<128x128xf32, #tpu.memory_space<vmem>>, vector<1x16xf32>,
      %broadcast_in_dim3A_149 = arith.constant 0.000000e+00 : f32
      %broadcast_in_dim3A_150 = vector.broadcast %broadcast_in_dim3A_149 : f32 to vector<16xf32>
      %swap3A_151 = arith.index_cast %scan3A_44 : i32 to index
      %swap3A_152 = arith.constant 112 : index
      %swap3A_153 = tpu.vector_load %arg7[%swap3A_151, %swap3A_152] {strides = array<i32>} : memref<128x128xf32, #tpu.memory_space<vmem>>, vector<1x16xf32>,
      %swap3A_154 = vector.shape_cast %swap3A_153 : vector<1x16xf32> to vector<16xf32>
      %swap3A_155 = vector.shape_cast %broadcast_in_dim3A_150 : vector<16xf32> to vector<1x16xf32>
      tpu.vector_store %arg7[%swap3A_151, %swap3A_152], %swap3A_155 {strides = array<i32>} : memref<128x128xf32, #tpu.memory_space<vmem>>, vector<1x16xf32>,
      %scan3A_156 = arith.constant 0 : i32
      scf.yield %scan3A_156 : i32
    }
    %scan3A_6 = arith.constant 128 : i32
    %mul3A_7 = arith.constant 632 : i32
    %mul3A_8 = arith.muli %arg1, %mul3A_7 : i32
    %add3A_9 = arith.constant 0 : i32
    %add3A_10 = arith.addi %mul3A_8, %add3A_9 : i32
    "tpu.region"() ({
      %run_scoped3A = tpu.sem_alloc : memref<!tpu.dma_semaphore, #tpu.memory_space<semaphore_mem>>
      %dma_start3A_44 = arith.constant 0 : i32
      %dma_start3A_45 = tpu.memref_slice %arg8[%add3A_10, %dma_start3A_44] : memref<10112x128xf32, #tpu.memory_space<vmem_shared>> -> memref<128x128xf32, #tpu.memory_space<vmem_shared>>
      %dma_start3A_46 = arith.constant 0 : i32
      %dma_start3A_47 = tpu.memref_slice %arg8[%add3A_10, %dma_start3A_46] : memref<10112x128xf32, #tpu.memory_space<vmem_shared>> -> memref<128x128xf32, #tpu.memory_space<vmem_shared>>
      tpu.enqueue_dma source(%arg7 : memref<128x128xf32, #tpu.memory_space<vmem>>) target(%dma_start3A_47 : memref<128x128xf32, #tpu.memory_space<vmem_shared>>) target_semaphore(%run_scoped3A : memref<!tpu.dma_semaphore, #tpu.memory_space<semaphore_mem>>)
      %dma_wait3A = arith.constant 0 : i32
      %dma_wait3A_48 = tpu.memref_slice %arg8[%add3A_10, %dma_wait3A] : memref<10112x128xf32, #tpu.memory_space<vmem_shared>> -> memref<128x128xf32, #tpu.memory_space<vmem_shared>>
      %dma_wait3A_49 = arith.constant 0 : i32
      %dma_wait3A_50 = tpu.memref_slice %arg8[%add3A_10, %dma_wait3A_49] : memref<10112x128xf32, #tpu.memory_space<vmem_shared>> -> memref<128x128xf32, #tpu.memory_space<vmem_shared>>
      tpu.wait_dma2 semaphore(%run_scoped3A : memref<!tpu.dma_semaphore, #tpu.memory_space<semaphore_mem>>) src(%arg7 : memref<128x128xf32, #tpu.memory_space<vmem>>) dst(%dma_wait3A_50 : memref<128x128xf32, #tpu.memory_space<vmem_shared>>)
      tpu.yield
    }) : () -> ()
    %add3A_11 = arith.constant 128 : i32
    %add3A_12 = arith.addi %mul3A_8, %add3A_11 : i32
    "tpu.region"() ({
      %run_scoped3A = tpu.sem_alloc : memref<!tpu.dma_semaphore, #tpu.memory_space<semaphore_mem>>
      %dma_start3A_44 = arith.constant 0 : i32
      %dma_start3A_45 = tpu.memref_slice %arg8[%add3A_12, %dma_start3A_44] : memref<10112x128xf32, #tpu.memory_space<vmem_shared>> -> memref<128x128xf32, #tpu.memory_space<vmem_shared>>
      %dma_start3A_46 = arith.constant 0 : i32
      %dma_start3A_47 = tpu.memref_slice %arg8[%add3A_12, %dma_start3A_46] : memref<10112x128xf32, #tpu.memory_space<vmem_shared>> -> memref<128x128xf32, #tpu.memory_space<vmem_shared>>
      tpu.enqueue_dma source(%arg7 : memref<128x128xf32, #tpu.memory_space<vmem>>) target(%dma_start3A_47 : memref<128x128xf32, #tpu.memory_space<vmem_shared>>) target_semaphore(%run_scoped3A : memref<!tpu.dma_semaphore, #tpu.memory_space<semaphore_mem>>)
      %dma_wait3A = arith.constant 0 : i32
      %dma_wait3A_48 = tpu.memref_slice %arg8[%add3A_12, %dma_wait3A] : memref<10112x128xf32, #tpu.memory_space<vmem_shared>> -> memref<128x128xf32, #tpu.memory_space<vmem_shared>>
      %dma_wait3A_49 = arith.constant 0 : i32
      %dma_wait3A_50 = tpu.memref_slice %arg8[%add3A_12, %dma_wait3A_49] : memref<10112x128xf32, #tpu.memory_space<vmem_shared>> -> memref<128x128xf32, #tpu.memory_space<vmem_shared>>
      tpu.wait_dma2 semaphore(%run_scoped3A : memref<!tpu.dma_semaphore, #tpu.memory_space<semaphore_mem>>) src(%arg7 : memref<128x128xf32, #tpu.memory_space<vmem>>) dst(%dma_wait3A_50 : memref<128x128xf32, #tpu.memory_space<vmem_shared>>)
      tpu.yield
    }) : () -> ()
    %add3A_13 = arith.constant 256 : i32
    %add3A_14 = arith.addi %mul3A_8, %add3A_13 : i32
    "tpu.region"() ({
      %run_scoped3A = tpu.sem_alloc : memref<!tpu.dma_semaphore, #tpu.memory_space<semaphore_mem>>
      %dma_start3A_44 = arith.constant 0 : i32
      %dma_start3A_45 = tpu.memref_slice %arg8[%add3A_14, %dma_start3A_44] : memref<10112x128xf32, #tpu.memory_space<vmem_shared>> -> memref<128x128xf32, #tpu.memory_space<vmem_shared>>
      %dma_start3A_46 = arith.constant 0 : i32
      %dma_start3A_47 = tpu.memref_slice %arg8[%add3A_14, %dma_start3A_46] : memref<10112x128xf32, #tpu.memory_space<vmem_shared>> -> memref<128x128xf32, #tpu.memory_space<vmem_shared>>
      tpu.enqueue_dma source(%arg7 : memref<128x128xf32, #tpu.memory_space<vmem>>) target(%dma_start3A_47 : memref<128x128xf32, #tpu.memory_space<vmem_shared>>) target_semaphore(%run_scoped3A : memref<!tpu.dma_semaphore, #tpu.memory_space<semaphore_mem>>)
      %dma_wait3A = arith.constant 0 : i32
      %dma_wait3A_48 = tpu.memref_slice %arg8[%add3A_14, %dma_wait3A] : memref<10112x128xf32, #tpu.memory_space<vmem_shared>> -> memref<128x128xf32, #tpu.memory_space<vmem_shared>>
      %dma_wait3A_49 = arith.constant 0 : i32
      %dma_wait3A_50 = tpu.memref_slice %arg8[%add3A_14, %dma_wait3A_49] : memref<10112x128xf32, #tpu.memory_space<vmem_shared>> -> memref<128x128xf32, #tpu.memory_space<vmem_shared>>
      tpu.wait_dma2 semaphore(%run_scoped3A : memref<!tpu.dma_semaphore, #tpu.memory_space<semaphore_mem>>) src(%arg7 : memref<128x128xf32, #tpu.memory_space<vmem>>) dst(%dma_wait3A_50 : memref<128x128xf32, #tpu.memory_space<vmem_shared>>)
      tpu.yield
    }) : () -> ()
    %add3A_15 = arith.constant 384 : i32
    %add3A_16 = arith.addi %mul3A_8, %add3A_15 : i32
    "tpu.region"() ({
      %run_scoped3A = tpu.sem_alloc : memref<!tpu.dma_semaphore, #tpu.memory_space<semaphore_mem>>
      %dma_start3A_44 = arith.constant 0 : i32
      %dma_start3A_45 = tpu.memref_slice %arg8[%add3A_16, %dma_start3A_44] : memref<10112x128xf32, #tpu.memory_space<vmem_shared>> -> memref<128x128xf32, #tpu.memory_space<vmem_shared>>
      %dma_start3A_46 = arith.constant 0 : i32
      %dma_start3A_47 = tpu.memref_slice %arg8[%add3A_16, %dma_start3A_46] : memref<10112x128xf32, #tpu.memory_space<vmem_shared>> -> memref<128x128xf32, #tpu.memory_space<vmem_shared>>
      tpu.enqueue_dma source(%arg7 : memref<128x128xf32, #tpu.memory_space<vmem>>) target(%dma_start3A_47 : memref<128x128xf32, #tpu.memory_space<vmem_shared>>) target_semaphore(%run_scoped3A : memref<!tpu.dma_semaphore, #tpu.memory_space<semaphore_mem>>)
      %dma_wait3A = arith.constant 0 : i32
      %dma_wait3A_48 = tpu.memref_slice %arg8[%add3A_16, %dma_wait3A] : memref<10112x128xf32, #tpu.memory_space<vmem_shared>> -> memref<128x128xf32, #tpu.memory_space<vmem_shared>>
      %dma_wait3A_49 = arith.constant 0 : i32
      %dma_wait3A_50 = tpu.memref_slice %arg8[%add3A_16, %dma_wait3A_49] : memref<10112x128xf32, #tpu.memory_space<vmem_shared>> -> memref<128x128xf32, #tpu.memory_space<vmem_shared>>
      tpu.wait_dma2 semaphore(%run_scoped3A : memref<!tpu.dma_semaphore, #tpu.memory_space<semaphore_mem>>) src(%arg7 : memref<128x128xf32, #tpu.memory_space<vmem>>) dst(%dma_wait3A_50 : memref<128x128xf32, #tpu.memory_space<vmem_shared>>)
      tpu.yield
    }) : () -> ()
    %add3A_17 = arith.constant 512 : i32
    %add3A_18 = arith.addi %mul3A_8, %add3A_17 : i32
    "tpu.region"() ({
      %run_scoped3A = tpu.sem_alloc : memref<!tpu.dma_semaphore, #tpu.memory_space<semaphore_mem>>
      %dma_start3A_44 = arith.constant 0 : i32
      %dma_start3A_45 = arith.constant 0 : i32
      %dma_start3A_46 = tpu.memref_slice %arg7[%dma_start3A_44, %dma_start3A_45] : memref<128x128xf32, #tpu.memory_space<vmem>> -> memref<120x128xf32, #tpu.memory_space<vmem>>
      %dma_start3A_47 = arith.constant 0 : i32
      %dma_start3A_48 = tpu.memref_slice %arg8[%add3A_18, %dma_start3A_47] : memref<10112x128xf32, #tpu.memory_space<vmem_shared>> -> memref<120x128xf32, #tpu.memory_space<vmem_shared>>
      %dma_start3A_49 = arith.constant 0 : i32
      %dma_start3A_50 = tpu.memref_slice %arg8[%add3A_18, %dma_start3A_49] : memref<10112x128xf32, #tpu.memory_space<vmem_shared>> -> memref<120x128xf32, #tpu.memory_space<vmem_shared>>
      %dma_start3A_51 = arith.constant 0 : i32
      %dma_start3A_52 = arith.constant 0 : i32
      %dma_start3A_53 = tpu.memref_slice %arg7[%dma_start3A_51, %dma_start3A_52] : memref<128x128xf32, #tpu.memory_space<vmem>> -> memref<120x128xf32, #tpu.memory_space<vmem>>
      tpu.enqueue_dma source(%dma_start3A_53 : memref<120x128xf32, #tpu.memory_space<vmem>>) target(%dma_start3A_50 : memref<120x128xf32, #tpu.memory_space<vmem_shared>>) target_semaphore(%run_scoped3A : memref<!tpu.dma_semaphore, #tpu.memory_space<semaphore_mem>>)
      %dma_wait3A = arith.constant 0 : i32
      %dma_wait3A_54 = arith.constant 0 : i32
      %dma_wait3A_55 = tpu.memref_slice %arg7[%dma_wait3A, %dma_wait3A_54] : memref<128x128xf32, #tpu.memory_space<vmem>> -> memref<120x128xf32, #tpu.memory_space<vmem>>
      %dma_wait3A_56 = arith.constant 0 : i32
      %dma_wait3A_57 = tpu.memref_slice %arg8[%add3A_18, %dma_wait3A_56] : memref<10112x128xf32, #tpu.memory_space<vmem_shared>> -> memref<120x128xf32, #tpu.memory_space<vmem_shared>>
      %dma_wait3A_58 = arith.constant 0 : i32
      %dma_wait3A_59 = tpu.memref_slice %arg8[%add3A_18, %dma_wait3A_58] : memref<10112x128xf32, #tpu.memory_space<vmem_shared>> -> memref<120x128xf32, #tpu.memory_space<vmem_shared>>
      %dma_wait3A_60 = arith.constant 0 : i32
      %dma_wait3A_61 = arith.constant 0 : i32
      %dma_wait3A_62 = tpu.memref_slice %arg7[%dma_wait3A_60, %dma_wait3A_61] : memref<128x128xf32, #tpu.memory_space<vmem>> -> memref<120x128xf32, #tpu.memory_space<vmem>>
      tpu.wait_dma2 semaphore(%run_scoped3A : memref<!tpu.dma_semaphore, #tpu.memory_space<semaphore_mem>>) src(%dma_wait3A_62 : memref<120x128xf32, #tpu.memory_space<vmem>>) dst(%dma_wait3A_59 : memref<120x128xf32, #tpu.memory_space<vmem_shared>>)
      tpu.yield
    }) : () -> ()
    %barrier3A = arith.constant 0 : index
    tpu.barrier barrier_id(%barrier3A)
    %mul3A_19 = arith.constant 80 : i32
    %mul3A_20 = arith.muli %add3A, %mul3A_19 : i32
    %mul3A_21 = arith.constant 2 : i32
    %mul3A_22 = arith.muli %mul3A_20, %mul3A_21 : i32
    "tpu.region"() ({
      %run_scoped3A = tpu.sem_alloc : memref<!tpu.dma_semaphore, #tpu.memory_space<semaphore_mem>>
      %dma_start3A_44 = arith.constant 0 : i32
      %dma_start3A_45 = tpu.memref_slice %arg2[%mul3A_22, %dma_start3A_44] : memref<5120x128xi32, #tpu.memory_space<hbm>> -> memref<2x128xi32, #tpu.memory_space<hbm>>
      %dma_start3A_46 = arith.constant 0 : i32
      %dma_start3A_47 = tpu.memref_slice %arg2[%mul3A_22, %dma_start3A_46] : memref<5120x128xi32, #tpu.memory_space<hbm>> -> memref<2x128xi32, #tpu.memory_space<hbm>>
      tpu.enqueue_dma source(%dma_start3A_47 : memref<2x128xi32, #tpu.memory_space<hbm>>) target(%arg4 : memref<2x128xi32, #tpu.memory_space<vmem>>) target_semaphore(%run_scoped3A : memref<!tpu.dma_semaphore, #tpu.memory_space<semaphore_mem>>)
      %dma_wait3A = arith.constant 0 : i32
      %dma_wait3A_48 = tpu.memref_slice %arg2[%mul3A_22, %dma_wait3A] : memref<5120x128xi32, #tpu.memory_space<hbm>> -> memref<2x128xi32, #tpu.memory_space<hbm>>
      %dma_wait3A_49 = arith.constant 0 : i32
      %dma_wait3A_50 = tpu.memref_slice %arg2[%mul3A_22, %dma_wait3A_49] : memref<5120x128xi32, #tpu.memory_space<hbm>> -> memref<2x128xi32, #tpu.memory_space<hbm>>
      tpu.wait_dma2 semaphore(%run_scoped3A : memref<!tpu.dma_semaphore, #tpu.memory_space<semaphore_mem>>) src(%dma_wait3A_50 : memref<2x128xi32, #tpu.memory_space<hbm>>) dst(%arg4 : memref<2x128xi32, #tpu.memory_space<vmem>>)
      tpu.yield
    }) : () -> ()
    %dma_start3A = arith.constant 1 : i32
    %dma_start3A_23 = arith.constant 0 : i32
    %dma_start3A_24 = tpu.memref_slice %arg4[%dma_start3A, %dma_start3A_23] : memref<2x128xi32, #tpu.memory_space<vmem>> -> memref<1x128xi32, #tpu.memory_space<vmem>>
    %dma_start3A_25 = tpu.memref_squeeze %dma_start3A_24 : memref<1x128xi32, #tpu.memory_space<vmem>> -> memref<128xi32, #tpu.memory_space<vmem>>
    %dma_start3A_26 = arith.constant 0 : i32
    %dma_start3A_27 = arith.constant 0 : i32
    %dma_start3A_28 = tpu.memref_slice %arg8[%dma_start3A_26, %dma_start3A_27] : memref<10112x128xf32, #tpu.memory_space<vmem_shared>> -> memref<10112x128xf32, #tpu.memory_space<vmem_shared>>
    tpu.enqueue_indirect_dma source(%arg6 : memref<128x128xf32, #tpu.memory_space<vmem>>) target(%dma_start3A_28 : memref<10112x128xf32, #tpu.memory_space<vmem_shared>>) offsets(%dma_start3A_25 : memref<128xi32, #tpu.memory_space<vmem>>) semaphore(%arg9 : memref<!tpu.dma_semaphore, #tpu.memory_space<semaphore_mem>>) {add = true}
    %scan3A_29 = arith.constant 0 : i32
    %scan3A_30 = arith.constant 0 : i32
    %scan3A_31 = arith.constant 40 : i32
    %scan3A_32 = arith.addi %scan3A_30, %scan3A_31 : i32
    %scan3A_33 = arith.constant 1 : i32
    %scan3A_34 = scf.for %scan3A_44 = %scan3A_30 to %scan3A_32 step %scan3A_33 iter_args(%scan3A_45 = %scan3A_29) -> (i32)  : i32 {
      %mul3A_46 = arith.constant 2 : i32
      %mul3A_47 = arith.muli %mul3A_46, %scan3A_44 : i32
      %add3A_48 = arith.constant 0 : i32
      %add3A_49 = arith.addi %mul3A_47, %add3A_48 : i32
      %add3A_50 = arith.constant 1 : i32
      %add3A_51 = arith.addi %add3A_49, %add3A_50 : i32
      %mul3A_52 = arith.constant 2 : i32
      %mul3A_53 = arith.muli %add3A_51, %mul3A_52 : i32
      %add3A_54 = arith.addi %mul3A_22, %mul3A_53 : i32
      "tpu.region"() ({
        %run_scoped3A = tpu.sem_alloc : memref<!tpu.dma_semaphore, #tpu.memory_space<semaphore_mem>>
        %dma_start3A_82 = arith.constant 0 : i32
        %dma_start3A_83 = tpu.memref_slice %arg2[%add3A_54, %dma_start3A_82] : memref<5120x128xi32, #tpu.memory_space<hbm>> -> memref<2x128xi32, #tpu.memory_space<hbm>>
        %dma_start3A_84 = arith.constant 0 : i32
        %dma_start3A_85 = tpu.memref_slice %arg2[%add3A_54, %dma_start3A_84] : memref<5120x128xi32, #tpu.memory_space<hbm>> -> memref<2x128xi32, #tpu.memory_space<hbm>>
        tpu.enqueue_dma source(%dma_start3A_85 : memref<2x128xi32, #tpu.memory_space<hbm>>) target(%arg5 : memref<2x128xi32, #tpu.memory_space<vmem>>) target_semaphore(%run_scoped3A : memref<!tpu.dma_semaphore, #tpu.memory_space<semaphore_mem>>)
        %dma_wait3A_86 = arith.constant 0 : i32
        %dma_wait3A_87 = tpu.memref_slice %arg2[%add3A_54, %dma_wait3A_86] : memref<5120x128xi32, #tpu.memory_space<hbm>> -> memref<2x128xi32, #tpu.memory_space<hbm>>
        %dma_wait3A_88 = arith.constant 0 : i32
        %dma_wait3A_89 = tpu.memref_slice %arg2[%add3A_54, %dma_wait3A_88] : memref<5120x128xi32, #tpu.memory_space<hbm>> -> memref<2x128xi32, #tpu.memory_space<hbm>>
        tpu.wait_dma2 semaphore(%run_scoped3A : memref<!tpu.dma_semaphore, #tpu.memory_space<semaphore_mem>>) src(%dma_wait3A_89 : memref<2x128xi32, #tpu.memory_space<hbm>>) dst(%arg5 : memref<2x128xi32, #tpu.memory_space<vmem>>)
        tpu.yield
      }) : () -> ()
      %dma_start3A_55 = arith.constant 1 : i32
      %dma_start3A_56 = arith.constant 0 : i32
      %dma_start3A_57 = tpu.memref_slice %arg5[%dma_start3A_55, %dma_start3A_56] : memref<2x128xi32, #tpu.memory_space<vmem>> -> memref<1x128xi32, #tpu.memory_space<vmem>>
      %dma_start3A_58 = tpu.memref_squeeze %dma_start3A_57 : memref<1x128xi32, #tpu.memory_space<vmem>> -> memref<128xi32, #tpu.memory_space<vmem>>
      %dma_start3A_59 = arith.constant 0 : i32
      %dma_start3A_60 = arith.constant 0 : i32
      %dma_start3A_61 = tpu.memref_slice %arg8[%dma_start3A_59, %dma_start3A_60] : memref<10112x128xf32, #tpu.memory_space<vmem_shared>> -> memref<10112x128xf32, #tpu.memory_space<vmem_shared>>
      tpu.enqueue_indirect_dma source(%arg6 : memref<128x128xf32, #tpu.memory_space<vmem>>) target(%dma_start3A_61 : memref<10112x128xf32, #tpu.memory_space<vmem_shared>>) offsets(%dma_start3A_58 : memref<128xi32, #tpu.memory_space<vmem>>) semaphore(%arg10 : memref<!tpu.dma_semaphore, #tpu.memory_space<semaphore_mem>>) {add = true}
      %dma_wait3A = arith.constant 1 : i32
      %dma_wait3A_62 = arith.constant 0 : i32
      %dma_wait3A_63 = tpu.memref_slice %arg4[%dma_wait3A, %dma_wait3A_62] : memref<2x128xi32, #tpu.memory_space<vmem>> -> memref<1x128xi32, #tpu.memory_space<vmem>>
      %dma_wait3A_64 = tpu.memref_squeeze %dma_wait3A_63 : memref<1x128xi32, #tpu.memory_space<vmem>> -> memref<128xi32, #tpu.memory_space<vmem>>
      %dma_wait3A_65 = arith.constant 0 : i32
      %dma_wait3A_66 = arith.constant 0 : i32
      %dma_wait3A_67 = tpu.memref_slice %arg8[%dma_wait3A_65, %dma_wait3A_66] : memref<10112x128xf32, #tpu.memory_space<vmem_shared>> -> memref<10112x128xf32, #tpu.memory_space<vmem_shared>>
      tpu.wait_indirect_dma semaphore(%arg9 : memref<!tpu.dma_semaphore, #tpu.memory_space<semaphore_mem>>) src(%arg6 : memref<128x128xf32, #tpu.memory_space<vmem>>) dst(%dma_wait3A_67 : memref<10112x128xf32, #tpu.memory_space<vmem_shared>>)
      %mul3A_68 = arith.constant 2 : i32
      %mul3A_69 = arith.muli %mul3A_68, %scan3A_44 : i32
      %add3A_70 = arith.constant 1 : i32
      %add3A_71 = arith.addi %mul3A_69, %add3A_70 : i32
      %lt3A = arith.constant 39 : i32
      %lt3A_72 = arith.cmpi slt, %scan3A_44, %lt3A : i32
      %convert_element_type3A = arith.extui %lt3A_72 : i1 to i32
      %cond3A = arith.constant 0 : i32
      %cond3A_73 = arith.cmpi ne, %convert_element_type3A, %cond3A : i32
      scf.if %cond3A_73 {
        %add3A_82 = arith.constant 1 : i32
        %add3A_83 = arith.addi %add3A_71, %add3A_82 : i32
        %mul3A_84 = arith.constant 2 : i32
        %mul3A_85 = arith.muli %add3A_83, %mul3A_84 : i32
        %add3A_86 = arith.addi %mul3A_22, %mul3A_85 : i32
        "tpu.region"() ({
          %run_scoped3A = tpu.sem_alloc : memref<!tpu.dma_semaphore, #tpu.memory_space<semaphore_mem>>
          %dma_start3A_94 = arith.constant 0 : i32
          %dma_start3A_95 = tpu.memref_slice %arg2[%add3A_86, %dma_start3A_94] : memref<5120x128xi32, #tpu.memory_space<hbm>> -> memref<2x128xi32, #tpu.memory_space<hbm>>
          %dma_start3A_96 = arith.constant 0 : i32
          %dma_start3A_97 = tpu.memref_slice %arg2[%add3A_86, %dma_start3A_96] : memref<5120x128xi32, #tpu.memory_space<hbm>> -> memref<2x128xi32, #tpu.memory_space<hbm>>
          tpu.enqueue_dma source(%dma_start3A_97 : memref<2x128xi32, #tpu.memory_space<hbm>>) target(%arg4 : memref<2x128xi32, #tpu.memory_space<vmem>>) target_semaphore(%run_scoped3A : memref<!tpu.dma_semaphore, #tpu.memory_space<semaphore_mem>>)
          %dma_wait3A_98 = arith.constant 0 : i32
          %dma_wait3A_99 = tpu.memref_slice %arg2[%add3A_86, %dma_wait3A_98] : memref<5120x128xi32, #tpu.memory_space<hbm>> -> memref<2x128xi32, #tpu.memory_space<hbm>>
          %dma_wait3A_100 = arith.constant 0 : i32
          %dma_wait3A_101 = tpu.memref_slice %arg2[%add3A_86, %dma_wait3A_100] : memref<5120x128xi32, #tpu.memory_space<hbm>> -> memref<2x128xi32, #tpu.memory_space<hbm>>
          tpu.wait_dma2 semaphore(%run_scoped3A : memref<!tpu.dma_semaphore, #tpu.memory_space<semaphore_mem>>) src(%dma_wait3A_101 : memref<2x128xi32, #tpu.memory_space<hbm>>) dst(%arg4 : memref<2x128xi32, #tpu.memory_space<vmem>>)
          tpu.yield
        }) : () -> ()
        %dma_start3A_87 = arith.constant 1 : i32
        %dma_start3A_88 = arith.constant 0 : i32
        %dma_start3A_89 = tpu.memref_slice %arg4[%dma_start3A_87, %dma_start3A_88] : memref<2x128xi32, #tpu.memory_space<vmem>> -> memref<1x128xi32, #tpu.memory_space<vmem>>
        %dma_start3A_90 = tpu.memref_squeeze %dma_start3A_89 : memref<1x128xi32, #tpu.memory_space<vmem>> -> memref<128xi32, #tpu.memory_space<vmem>>
        %dma_start3A_91 = arith.constant 0 : i32
        %dma_start3A_92 = arith.constant 0 : i32
        %dma_start3A_93 = tpu.memref_slice %arg8[%dma_start3A_91, %dma_start3A_92] : memref<10112x128xf32, #tpu.memory_space<vmem_shared>> -> memref<10112x128xf32, #tpu.memory_space<vmem_shared>>
        tpu.enqueue_indirect_dma source(%arg6 : memref<128x128xf32, #tpu.memory_space<vmem>>) target(%dma_start3A_93 : memref<10112x128xf32, #tpu.memory_space<vmem_shared>>) offsets(%dma_start3A_90 : memref<128xi32, #tpu.memory_space<vmem>>) semaphore(%arg9 : memref<!tpu.dma_semaphore, #tpu.memory_space<semaphore_mem>>) {add = true}
      } else {
      }
      %dma_wait3A_74 = arith.constant 1 : i32
      %dma_wait3A_75 = arith.constant 0 : i32
      %dma_wait3A_76 = tpu.memref_slice %arg5[%dma_wait3A_74, %dma_wait3A_75] : memref<2x128xi32, #tpu.memory_space<vmem>> -> memref<1x128xi32, #tpu.memory_space<vmem>>
      %dma_wait3A_77 = tpu.memref_squeeze %dma_wait3A_76 : memref<1x128xi32, #tpu.memory_space<vmem>> -> memref<128xi32, #tpu.memory_space<vmem>>
      %dma_wait3A_78 = arith.constant 0 : i32
      %dma_wait3A_79 = arith.constant 0 : i32
      %dma_wait3A_80 = tpu.memref_slice %arg8[%dma_wait3A_78, %dma_wait3A_79] : memref<10112x128xf32, #tpu.memory_space<vmem_shared>> -> memref<10112x128xf32, #tpu.memory_space<vmem_shared>>
      tpu.wait_indirect_dma semaphore(%arg10 : memref<!tpu.dma_semaphore, #tpu.memory_space<semaphore_mem>>) src(%arg6 : memref<128x128xf32, #tpu.memory_space<vmem>>) dst(%dma_wait3A_80 : memref<10112x128xf32, #tpu.memory_space<vmem_shared>>)
      %scan3A_81 = arith.constant 0 : i32
      scf.yield %scan3A_81 : i32
    }
    %scan3A_35 = arith.constant 40 : i32
    %barrier3A_36 = arith.constant 0 : index
    tpu.barrier barrier_id(%barrier3A_36)
    %mul3A_37 = arith.constant 632 : i32
    %mul3A_38 = arith.muli %arg1, %mul3A_37 : i32
    %mul3A_39 = arith.constant 10112 : i32
    %mul3A_40 = arith.muli %arg0, %mul3A_39 : i32
    %mul3A_41 = arith.constant 632 : i32
    %mul3A_42 = arith.muli %arg1, %mul3A_41 : i32
    %add3A_43 = arith.addi %mul3A_40, %mul3A_42 : i32
    "tpu.region"() ({
      %run_scoped3A = tpu.sem_alloc : memref<!tpu.dma_semaphore, #tpu.memory_space<semaphore_mem>>
      %dma_start3A_44 = arith.constant 0 : i32
      %dma_start3A_45 = tpu.memref_slice %arg3[%add3A_43, %dma_start3A_44] : memref<20224x128xf32, #tpu.memory_space<hbm>> -> memref<632x128xf32, #tpu.memory_space<hbm>>
      %dma_start3A_46 = arith.constant 0 : i32
      %dma_start3A_47 = tpu.memref_slice %arg8[%mul3A_38, %dma_start3A_46] : memref<10112x128xf32, #tpu.memory_space<vmem_shared>> -> memref<632x128xf32, #tpu.memory_space<vmem_shared>>
      tpu.enqueue_dma source(%dma_start3A_47 : memref<632x128xf32, #tpu.memory_space<vmem_shared>>) target(%dma_start3A_45 : memref<632x128xf32, #tpu.memory_space<hbm>>) target_semaphore(%run_scoped3A : memref<!tpu.dma_semaphore, #tpu.memory_space<semaphore_mem>>)
      %dma_wait3A = arith.constant 0 : i32
      %dma_wait3A_48 = tpu.memref_slice %arg3[%add3A_43, %dma_wait3A] : memref<20224x128xf32, #tpu.memory_space<hbm>> -> memref<632x128xf32, #tpu.memory_space<hbm>>
      %dma_wait3A_49 = arith.constant 0 : i32
      %dma_wait3A_50 = tpu.memref_slice %arg8[%mul3A_38, %dma_wait3A_49] : memref<10112x128xf32, #tpu.memory_space<vmem_shared>> -> memref<632x128xf32, #tpu.memory_space<vmem_shared>>
      tpu.wait_dma2 semaphore(%run_scoped3A : memref<!tpu.dma_semaphore, #tpu.memory_space<semaphore_mem>>) src(%dma_wait3A_50 : memref<632x128xf32, #tpu.memory_space<vmem_shared>>) dst(%dma_wait3A_48 : memref<632x128xf32, #tpu.memory_space<hbm>>)
      tpu.yield
    }) : () -> ()
    return
  }
}

#map = affine_map<(d0, d1) -> (0, 0)>
#map1 = affine_map<(d0, d1) -> (0)>
module attributes {stable_mosaic.version = 14 : i64} {
  func.func @_sc_agg_body(%arg0: i32, %arg1: i32, %arg2: memref<10112x128xf32, #tpu.memory_space<hbm>>, %arg3: memref<327680xi32, #tpu.memory_space<hbm>>, %arg4: memref<327680xi32, #tpu.memory_space<hbm>>, %arg5: memref<20224x128xf32, #tpu.memory_space<hbm>>, %arg6: memref<128xi32, #tpu.memory_space<vmem>>, %arg7: memref<128xi32, #tpu.memory_space<vmem>>, %arg8: memref<128xi32, #tpu.memory_space<vmem>>, %arg9: memref<128xi32, #tpu.memory_space<vmem>>, %arg10: memref<128x128xf32, #tpu.memory_space<vmem>>, %arg11: memref<128x128xf32, #tpu.memory_space<vmem>>, %arg12: memref<10112x128xf32, #tpu.memory_space<vmem_shared>>, %arg13: memref<!tpu.dma_semaphore, #tpu.memory_space<semaphore_mem>>, %arg14: memref<!tpu.dma_semaphore, #tpu.memory_space<semaphore_mem>>) attributes {dimension_semantics = [#tpu.dimension_semantics<core_parallel>, #tpu.dimension_semantics<subcore_parallel>], iteration_bounds = array<i64: 2, 16>, scalar_prefetch = 0 : i64, scratch_operands = 9 : i64, tpu.core_type = #tpu.core_type<sc_vector_subcore>, window_params = [{transform_indices = #map}, {transform_indices = #map1}, {transform_indices = #map1}, {transform_indices = #map}]} {
    %mul3A = arith.constant 2 : i32
    %mul3A_0 = arith.muli %arg1, %mul3A : i32
    %add3A = arith.addi %mul3A_0, %arg0 : i32
    %scan3A = arith.constant 0 : i32
    %scan3A_1 = arith.constant 0 : i32
    %scan3A_2 = arith.constant 128 : i32
    %scan3A_3 = arith.addi %scan3A_1, %scan3A_2 : i32
    %scan3A_4 = arith.constant 1 : i32
    %scan3A_5 = scf.for %scan3A_38 = %scan3A_1 to %scan3A_3 step %scan3A_4 iter_args(%scan3A_39 = %scan3A) -> (i32)  : i32 {
      %broadcast_in_dim3A = arith.constant 0.000000e+00 : f32
      %broadcast_in_dim3A_40 = vector.broadcast %broadcast_in_dim3A : f32 to vector<16xf32>
      %swap3A = arith.index_cast %scan3A_38 : i32 to index
      %swap3A_41 = arith.constant 0 : index
      %swap3A_42 = tpu.vector_load %arg10[%swap3A, %swap3A_41] {strides = array<i32>} : memref<128x128xf32, #tpu.memory_space<vmem>>, vector<1x16xf32>,
      %swap3A_43 = vector.shape_cast %swap3A_42 : vector<1x16xf32> to vector<16xf32>
      %swap3A_44 = vector.shape_cast %broadcast_in_dim3A_40 : vector<16xf32> to vector<1x16xf32>
      tpu.vector_store %arg10[%swap3A, %swap3A_41], %swap3A_44 {strides = array<i32>} : memref<128x128xf32, #tpu.memory_space<vmem>>, vector<1x16xf32>,
      %broadcast_in_dim3A_45 = arith.constant 0.000000e+00 : f32
      %broadcast_in_dim3A_46 = vector.broadcast %broadcast_in_dim3A_45 : f32 to vector<16xf32>
      %swap3A_47 = arith.index_cast %scan3A_38 : i32 to index
      %swap3A_48 = arith.constant 16 : index
      %swap3A_49 = tpu.vector_load %arg10[%swap3A_47, %swap3A_48] {strides = array<i32>} : memref<128x128xf32, #tpu.memory_space<vmem>>, vector<1x16xf32>,
      %swap3A_50 = vector.shape_cast %swap3A_49 : vector<1x16xf32> to vector<16xf32>
      %swap3A_51 = vector.shape_cast %broadcast_in_dim3A_46 : vector<16xf32> to vector<1x16xf32>
      tpu.vector_store %arg10[%swap3A_47, %swap3A_48], %swap3A_51 {strides = array<i32>} : memref<128x128xf32, #tpu.memory_space<vmem>>, vector<1x16xf32>,
      %broadcast_in_dim3A_52 = arith.constant 0.000000e+00 : f32
      %broadcast_in_dim3A_53 = vector.broadcast %broadcast_in_dim3A_52 : f32 to vector<16xf32>
      %swap3A_54 = arith.index_cast %scan3A_38 : i32 to index
      %swap3A_55 = arith.constant 32 : index
      %swap3A_56 = tpu.vector_load %arg10[%swap3A_54, %swap3A_55] {strides = array<i32>} : memref<128x128xf32, #tpu.memory_space<vmem>>, vector<1x16xf32>,
      %swap3A_57 = vector.shape_cast %swap3A_56 : vector<1x16xf32> to vector<16xf32>
      %swap3A_58 = vector.shape_cast %broadcast_in_dim3A_53 : vector<16xf32> to vector<1x16xf32>
      tpu.vector_store %arg10[%swap3A_54, %swap3A_55], %swap3A_58 {strides = array<i32>} : memref<128x128xf32, #tpu.memory_space<vmem>>, vector<1x16xf32>,
      %broadcast_in_dim3A_59 = arith.constant 0.000000e+00 : f32
      %broadcast_in_dim3A_60 = vector.broadcast %broadcast_in_dim3A_59 : f32 to vector<16xf32>
      %swap3A_61 = arith.index_cast %scan3A_38 : i32 to index
      %swap3A_62 = arith.constant 48 : index
      %swap3A_63 = tpu.vector_load %arg10[%swap3A_61, %swap3A_62] {strides = array<i32>} : memref<128x128xf32, #tpu.memory_space<vmem>>, vector<1x16xf32>,
      %swap3A_64 = vector.shape_cast %swap3A_63 : vector<1x16xf32> to vector<16xf32>
      %swap3A_65 = vector.shape_cast %broadcast_in_dim3A_60 : vector<16xf32> to vector<1x16xf32>
      tpu.vector_store %arg10[%swap3A_61, %swap3A_62], %swap3A_65 {strides = array<i32>} : memref<128x128xf32, #tpu.memory_space<vmem>>, vector<1x16xf32>,
      %broadcast_in_dim3A_66 = arith.constant 0.000000e+00 : f32
      %broadcast_in_dim3A_67 = vector.broadcast %broadcast_in_dim3A_66 : f32 to vector<16xf32>
      %swap3A_68 = arith.index_cast %scan3A_38 : i32 to index
      %swap3A_69 = arith.constant 64 : index
      %swap3A_70 = tpu.vector_load %arg10[%swap3A_68, %swap3A_69] {strides = array<i32>} : memref<128x128xf32, #tpu.memory_space<vmem>>, vector<1x16xf32>,
      %swap3A_71 = vector.shape_cast %swap3A_70 : vector<1x16xf32> to vector<16xf32>
      %swap3A_72 = vector.shape_cast %broadcast_in_dim3A_67 : vector<16xf32> to vector<1x16xf32>
      tpu.vector_store %arg10[%swap3A_68, %swap3A_69], %swap3A_72 {strides = array<i32>} : memref<128x128xf32, #tpu.memory_space<vmem>>, vector<1x16xf32>,
      %broadcast_in_dim3A_73 = arith.constant 0.000000e+00 : f32
      %broadcast_in_dim3A_74 = vector.broadcast %broadcast_in_dim3A_73 : f32 to vector<16xf32>
      %swap3A_75 = arith.index_cast %scan3A_38 : i32 to index
      %swap3A_76 = arith.constant 80 : index
      %swap3A_77 = tpu.vector_load %arg10[%swap3A_75, %swap3A_76] {strides = array<i32>} : memref<128x128xf32, #tpu.memory_space<vmem>>, vector<1x16xf32>,
      %swap3A_78 = vector.shape_cast %swap3A_77 : vector<1x16xf32> to vector<16xf32>
      %swap3A_79 = vector.shape_cast %broadcast_in_dim3A_74 : vector<16xf32> to vector<1x16xf32>
      tpu.vector_store %arg10[%swap3A_75, %swap3A_76], %swap3A_79 {strides = array<i32>} : memref<128x128xf32, #tpu.memory_space<vmem>>, vector<1x16xf32>,
      %broadcast_in_dim3A_80 = arith.constant 0.000000e+00 : f32
      %broadcast_in_dim3A_81 = vector.broadcast %broadcast_in_dim3A_80 : f32 to vector<16xf32>
      %swap3A_82 = arith.index_cast %scan3A_38 : i32 to index
      %swap3A_83 = arith.constant 96 : index
      %swap3A_84 = tpu.vector_load %arg10[%swap3A_82, %swap3A_83] {strides = array<i32>} : memref<128x128xf32, #tpu.memory_space<vmem>>, vector<1x16xf32>,
      %swap3A_85 = vector.shape_cast %swap3A_84 : vector<1x16xf32> to vector<16xf32>
      %swap3A_86 = vector.shape_cast %broadcast_in_dim3A_81 : vector<16xf32> to vector<1x16xf32>
      tpu.vector_store %arg10[%swap3A_82, %swap3A_83], %swap3A_86 {strides = array<i32>} : memref<128x128xf32, #tpu.memory_space<vmem>>, vector<1x16xf32>,
      %broadcast_in_dim3A_87 = arith.constant 0.000000e+00 : f32
      %broadcast_in_dim3A_88 = vector.broadcast %broadcast_in_dim3A_87 : f32 to vector<16xf32>
      %swap3A_89 = arith.index_cast %scan3A_38 : i32 to index
      %swap3A_90 = arith.constant 112 : index
      %swap3A_91 = tpu.vector_load %arg10[%swap3A_89, %swap3A_90] {strides = array<i32>} : memref<128x128xf32, #tpu.memory_space<vmem>>, vector<1x16xf32>,
      %swap3A_92 = vector.shape_cast %swap3A_91 : vector<1x16xf32> to vector<16xf32>
      %swap3A_93 = vector.shape_cast %broadcast_in_dim3A_88 : vector<16xf32> to vector<1x16xf32>
      tpu.vector_store %arg10[%swap3A_89, %swap3A_90], %swap3A_93 {strides = array<i32>} : memref<128x128xf32, #tpu.memory_space<vmem>>, vector<1x16xf32>,
      %scan3A_94 = arith.constant 0 : i32
      scf.yield %scan3A_94 : i32
    }
    %scan3A_6 = arith.constant 128 : i32
    %mul3A_7 = arith.constant 632 : i32
    %mul3A_8 = arith.muli %arg1, %mul3A_7 : i32
    %add3A_9 = arith.constant 0 : i32
    %add3A_10 = arith.addi %mul3A_8, %add3A_9 : i32
    "tpu.region"() ({
      %run_scoped3A = tpu.sem_alloc : memref<!tpu.dma_semaphore, #tpu.memory_space<semaphore_mem>>
      %dma_start3A_38 = arith.constant 0 : i32
      %dma_start3A_39 = tpu.memref_slice %arg12[%add3A_10, %dma_start3A_38] : memref<10112x128xf32, #tpu.memory_space<vmem_shared>> -> memref<128x128xf32, #tpu.memory_space<vmem_shared>>
      %dma_start3A_40 = arith.constant 0 : i32
      %dma_start3A_41 = tpu.memref_slice %arg12[%add3A_10, %dma_start3A_40] : memref<10112x128xf32, #tpu.memory_space<vmem_shared>> -> memref<128x128xf32, #tpu.memory_space<vmem_shared>>
      tpu.enqueue_dma source(%arg10 : memref<128x128xf32, #tpu.memory_space<vmem>>) target(%dma_start3A_41 : memref<128x128xf32, #tpu.memory_space<vmem_shared>>) target_semaphore(%run_scoped3A : memref<!tpu.dma_semaphore, #tpu.memory_space<semaphore_mem>>)
      %dma_wait3A = arith.constant 0 : i32
      %dma_wait3A_42 = tpu.memref_slice %arg12[%add3A_10, %dma_wait3A] : memref<10112x128xf32, #tpu.memory_space<vmem_shared>> -> memref<128x128xf32, #tpu.memory_space<vmem_shared>>
      %dma_wait3A_43 = arith.constant 0 : i32
      %dma_wait3A_44 = tpu.memref_slice %arg12[%add3A_10, %dma_wait3A_43] : memref<10112x128xf32, #tpu.memory_space<vmem_shared>> -> memref<128x128xf32, #tpu.memory_space<vmem_shared>>
      tpu.wait_dma2 semaphore(%run_scoped3A : memref<!tpu.dma_semaphore, #tpu.memory_space<semaphore_mem>>) src(%arg10 : memref<128x128xf32, #tpu.memory_space<vmem>>) dst(%dma_wait3A_44 : memref<128x128xf32, #tpu.memory_space<vmem_shared>>)
      tpu.yield
    }) : () -> ()
    %add3A_11 = arith.constant 128 : i32
    %add3A_12 = arith.addi %mul3A_8, %add3A_11 : i32
    "tpu.region"() ({
      %run_scoped3A = tpu.sem_alloc : memref<!tpu.dma_semaphore, #tpu.memory_space<semaphore_mem>>
      %dma_start3A_38 = arith.constant 0 : i32
      %dma_start3A_39 = tpu.memref_slice %arg12[%add3A_12, %dma_start3A_38] : memref<10112x128xf32, #tpu.memory_space<vmem_shared>> -> memref<128x128xf32, #tpu.memory_space<vmem_shared>>
      %dma_start3A_40 = arith.constant 0 : i32
      %dma_start3A_41 = tpu.memref_slice %arg12[%add3A_12, %dma_start3A_40] : memref<10112x128xf32, #tpu.memory_space<vmem_shared>> -> memref<128x128xf32, #tpu.memory_space<vmem_shared>>
      tpu.enqueue_dma source(%arg10 : memref<128x128xf32, #tpu.memory_space<vmem>>) target(%dma_start3A_41 : memref<128x128xf32, #tpu.memory_space<vmem_shared>>) target_semaphore(%run_scoped3A : memref<!tpu.dma_semaphore, #tpu.memory_space<semaphore_mem>>)
      %dma_wait3A = arith.constant 0 : i32
      %dma_wait3A_42 = tpu.memref_slice %arg12[%add3A_12, %dma_wait3A] : memref<10112x128xf32, #tpu.memory_space<vmem_shared>> -> memref<128x128xf32, #tpu.memory_space<vmem_shared>>
      %dma_wait3A_43 = arith.constant 0 : i32
      %dma_wait3A_44 = tpu.memref_slice %arg12[%add3A_12, %dma_wait3A_43] : memref<10112x128xf32, #tpu.memory_space<vmem_shared>> -> memref<128x128xf32, #tpu.memory_space<vmem_shared>>
      tpu.wait_dma2 semaphore(%run_scoped3A : memref<!tpu.dma_semaphore, #tpu.memory_space<semaphore_mem>>) src(%arg10 : memref<128x128xf32, #tpu.memory_space<vmem>>) dst(%dma_wait3A_44 : memref<128x128xf32, #tpu.memory_space<vmem_shared>>)
      tpu.yield
    }) : () -> ()
    %add3A_13 = arith.constant 256 : i32
    %add3A_14 = arith.addi %mul3A_8, %add3A_13 : i32
    "tpu.region"() ({
      %run_scoped3A = tpu.sem_alloc : memref<!tpu.dma_semaphore, #tpu.memory_space<semaphore_mem>>
      %dma_start3A_38 = arith.constant 0 : i32
      %dma_start3A_39 = tpu.memref_slice %arg12[%add3A_14, %dma_start3A_38] : memref<10112x128xf32, #tpu.memory_space<vmem_shared>> -> memref<128x128xf32, #tpu.memory_space<vmem_shared>>
      %dma_start3A_40 = arith.constant 0 : i32
      %dma_start3A_41 = tpu.memref_slice %arg12[%add3A_14, %dma_start3A_40] : memref<10112x128xf32, #tpu.memory_space<vmem_shared>> -> memref<128x128xf32, #tpu.memory_space<vmem_shared>>
      tpu.enqueue_dma source(%arg10 : memref<128x128xf32, #tpu.memory_space<vmem>>) target(%dma_start3A_41 : memref<128x128xf32, #tpu.memory_space<vmem_shared>>) target_semaphore(%run_scoped3A : memref<!tpu.dma_semaphore, #tpu.memory_space<semaphore_mem>>)
      %dma_wait3A = arith.constant 0 : i32
      %dma_wait3A_42 = tpu.memref_slice %arg12[%add3A_14, %dma_wait3A] : memref<10112x128xf32, #tpu.memory_space<vmem_shared>> -> memref<128x128xf32, #tpu.memory_space<vmem_shared>>
      %dma_wait3A_43 = arith.constant 0 : i32
      %dma_wait3A_44 = tpu.memref_slice %arg12[%add3A_14, %dma_wait3A_43] : memref<10112x128xf32, #tpu.memory_space<vmem_shared>> -> memref<128x128xf32, #tpu.memory_space<vmem_shared>>
      tpu.wait_dma2 semaphore(%run_scoped3A : memref<!tpu.dma_semaphore, #tpu.memory_space<semaphore_mem>>) src(%arg10 : memref<128x128xf32, #tpu.memory_space<vmem>>) dst(%dma_wait3A_44 : memref<128x128xf32, #tpu.memory_space<vmem_shared>>)
      tpu.yield
    }) : () -> ()
    %add3A_15 = arith.constant 384 : i32
    %add3A_16 = arith.addi %mul3A_8, %add3A_15 : i32
    "tpu.region"() ({
      %run_scoped3A = tpu.sem_alloc : memref<!tpu.dma_semaphore, #tpu.memory_space<semaphore_mem>>
      %dma_start3A_38 = arith.constant 0 : i32
      %dma_start3A_39 = tpu.memref_slice %arg12[%add3A_16, %dma_start3A_38] : memref<10112x128xf32, #tpu.memory_space<vmem_shared>> -> memref<128x128xf32, #tpu.memory_space<vmem_shared>>
      %dma_start3A_40 = arith.constant 0 : i32
      %dma_start3A_41 = tpu.memref_slice %arg12[%add3A_16, %dma_start3A_40] : memref<10112x128xf32, #tpu.memory_space<vmem_shared>> -> memref<128x128xf32, #tpu.memory_space<vmem_shared>>
      tpu.enqueue_dma source(%arg10 : memref<128x128xf32, #tpu.memory_space<vmem>>) target(%dma_start3A_41 : memref<128x128xf32, #tpu.memory_space<vmem_shared>>) target_semaphore(%run_scoped3A : memref<!tpu.dma_semaphore, #tpu.memory_space<semaphore_mem>>)
      %dma_wait3A = arith.constant 0 : i32
      %dma_wait3A_42 = tpu.memref_slice %arg12[%add3A_16, %dma_wait3A] : memref<10112x128xf32, #tpu.memory_space<vmem_shared>> -> memref<128x128xf32, #tpu.memory_space<vmem_shared>>
      %dma_wait3A_43 = arith.constant 0 : i32
      %dma_wait3A_44 = tpu.memref_slice %arg12[%add3A_16, %dma_wait3A_43] : memref<10112x128xf32, #tpu.memory_space<vmem_shared>> -> memref<128x128xf32, #tpu.memory_space<vmem_shared>>
      tpu.wait_dma2 semaphore(%run_scoped3A : memref<!tpu.dma_semaphore, #tpu.memory_space<semaphore_mem>>) src(%arg10 : memref<128x128xf32, #tpu.memory_space<vmem>>) dst(%dma_wait3A_44 : memref<128x128xf32, #tpu.memory_space<vmem_shared>>)
      tpu.yield
    }) : () -> ()
    %add3A_17 = arith.constant 512 : i32
    %add3A_18 = arith.addi %mul3A_8, %add3A_17 : i32
    "tpu.region"() ({
      %run_scoped3A = tpu.sem_alloc : memref<!tpu.dma_semaphore, #tpu.memory_space<semaphore_mem>>
      %dma_start3A_38 = arith.constant 0 : i32
      %dma_start3A_39 = arith.constant 0 : i32
      %dma_start3A_40 = tpu.memref_slice %arg10[%dma_start3A_38, %dma_start3A_39] : memref<128x128xf32, #tpu.memory_space<vmem>> -> memref<120x128xf32, #tpu.memory_space<vmem>>
      %dma_start3A_41 = arith.constant 0 : i32
      %dma_start3A_42 = tpu.memref_slice %arg12[%add3A_18, %dma_start3A_41] : memref<10112x128xf32, #tpu.memory_space<vmem_shared>> -> memref<120x128xf32, #tpu.memory_space<vmem_shared>>
      %dma_start3A_43 = arith.constant 0 : i32
      %dma_start3A_44 = tpu.memref_slice %arg12[%add3A_18, %dma_start3A_43] : memref<10112x128xf32, #tpu.memory_space<vmem_shared>> -> memref<120x128xf32, #tpu.memory_space<vmem_shared>>
      %dma_start3A_45 = arith.constant 0 : i32
      %dma_start3A_46 = arith.constant 0 : i32
      %dma_start3A_47 = tpu.memref_slice %arg10[%dma_start3A_45, %dma_start3A_46] : memref<128x128xf32, #tpu.memory_space<vmem>> -> memref<120x128xf32, #tpu.memory_space<vmem>>
      tpu.enqueue_dma source(%dma_start3A_47 : memref<120x128xf32, #tpu.memory_space<vmem>>) target(%dma_start3A_44 : memref<120x128xf32, #tpu.memory_space<vmem_shared>>) target_semaphore(%run_scoped3A : memref<!tpu.dma_semaphore, #tpu.memory_space<semaphore_mem>>)
      %dma_wait3A = arith.constant 0 : i32
      %dma_wait3A_48 = arith.constant 0 : i32
      %dma_wait3A_49 = tpu.memref_slice %arg10[%dma_wait3A, %dma_wait3A_48] : memref<128x128xf32, #tpu.memory_space<vmem>> -> memref<120x128xf32, #tpu.memory_space<vmem>>
      %dma_wait3A_50 = arith.constant 0 : i32
      %dma_wait3A_51 = tpu.memref_slice %arg12[%add3A_18, %dma_wait3A_50] : memref<10112x128xf32, #tpu.memory_space<vmem_shared>> -> memref<120x128xf32, #tpu.memory_space<vmem_shared>>
      %dma_wait3A_52 = arith.constant 0 : i32
      %dma_wait3A_53 = tpu.memref_slice %arg12[%add3A_18, %dma_wait3A_52] : memref<10112x128xf32, #tpu.memory_space<vmem_shared>> -> memref<120x128xf32, #tpu.memory_space<vmem_shared>>
      %dma_wait3A_54 = arith.constant 0 : i32
      %dma_wait3A_55 = arith.constant 0 : i32
      %dma_wait3A_56 = tpu.memref_slice %arg10[%dma_wait3A_54, %dma_wait3A_55] : memref<128x128xf32, #tpu.memory_space<vmem>> -> memref<120x128xf32, #tpu.memory_space<vmem>>
      tpu.wait_dma2 semaphore(%run_scoped3A : memref<!tpu.dma_semaphore, #tpu.memory_space<semaphore_mem>>) src(%dma_wait3A_56 : memref<120x128xf32, #tpu.memory_space<vmem>>) dst(%dma_wait3A_53 : memref<120x128xf32, #tpu.memory_space<vmem_shared>>)
      tpu.yield
    }) : () -> ()
    %barrier3A = arith.constant 0 : index
    tpu.barrier barrier_id(%barrier3A)
    %mul3A_19 = arith.constant 10240 : i32
    %mul3A_20 = arith.muli %add3A, %mul3A_19 : i32
    "tpu.region"() ({
      %run_scoped3A = tpu.sem_alloc : memref<!tpu.dma_semaphore, #tpu.memory_space<semaphore_mem>>
      %dma_start3A_38 = tpu.memref_slice %arg3[%mul3A_20] : memref<327680xi32, #tpu.memory_space<hbm>> -> memref<128xi32, #tpu.memory_space<hbm>>
      %dma_start3A_39 = tpu.memref_slice %arg3[%mul3A_20] : memref<327680xi32, #tpu.memory_space<hbm>> -> memref<128xi32, #tpu.memory_space<hbm>>
      tpu.enqueue_dma source(%dma_start3A_39 : memref<128xi32, #tpu.memory_space<hbm>>) target(%arg6 : memref<128xi32, #tpu.memory_space<vmem>>) target_semaphore(%run_scoped3A : memref<!tpu.dma_semaphore, #tpu.memory_space<semaphore_mem>>)
      %dma_wait3A = tpu.memref_slice %arg3[%mul3A_20] : memref<327680xi32, #tpu.memory_space<hbm>> -> memref<128xi32, #tpu.memory_space<hbm>>
      %dma_wait3A_40 = tpu.memref_slice %arg3[%mul3A_20] : memref<327680xi32, #tpu.memory_space<hbm>> -> memref<128xi32, #tpu.memory_space<hbm>>
      tpu.wait_dma2 semaphore(%run_scoped3A : memref<!tpu.dma_semaphore, #tpu.memory_space<semaphore_mem>>) src(%dma_wait3A_40 : memref<128xi32, #tpu.memory_space<hbm>>) dst(%arg6 : memref<128xi32, #tpu.memory_space<vmem>>)
      tpu.yield
    }) : () -> ()
    "tpu.region"() ({
      %run_scoped3A = tpu.sem_alloc : memref<!tpu.dma_semaphore, #tpu.memory_space<semaphore_mem>>
      %dma_start3A_38 = tpu.memref_slice %arg4[%mul3A_20] : memref<327680xi32, #tpu.memory_space<hbm>> -> memref<128xi32, #tpu.memory_space<hbm>>
      %dma_start3A_39 = tpu.memref_slice %arg4[%mul3A_20] : memref<327680xi32, #tpu.memory_space<hbm>> -> memref<128xi32, #tpu.memory_space<hbm>>
      tpu.enqueue_dma source(%dma_start3A_39 : memref<128xi32, #tpu.memory_space<hbm>>) target(%arg7 : memref<128xi32, #tpu.memory_space<vmem>>) target_semaphore(%run_scoped3A : memref<!tpu.dma_semaphore, #tpu.memory_space<semaphore_mem>>)
      %dma_wait3A = tpu.memref_slice %arg4[%mul3A_20] : memref<327680xi32, #tpu.memory_space<hbm>> -> memref<128xi32, #tpu.memory_space<hbm>>
      %dma_wait3A_40 = tpu.memref_slice %arg4[%mul3A_20] : memref<327680xi32, #tpu.memory_space<hbm>> -> memref<128xi32, #tpu.memory_space<hbm>>
      tpu.wait_dma2 semaphore(%run_scoped3A : memref<!tpu.dma_semaphore, #tpu.memory_space<semaphore_mem>>) src(%dma_wait3A_40 : memref<128xi32, #tpu.memory_space<hbm>>) dst(%arg7 : memref<128xi32, #tpu.memory_space<vmem>>)
      tpu.yield
    }) : () -> ()
    %dma_start3A = arith.constant 0 : i32
    %dma_start3A_21 = arith.constant 0 : i32
    %dma_start3A_22 = tpu.memref_slice %arg2[%dma_start3A, %dma_start3A_21] : memref<10112x128xf32, #tpu.memory_space<hbm>> -> memref<10112x128xf32, #tpu.memory_space<hbm>>
    tpu.enqueue_indirect_dma source(%dma_start3A_22 : memref<10112x128xf32, #tpu.memory_space<hbm>>) target(%arg10 : memref<128x128xf32, #tpu.memory_space<vmem>>) offsets(%arg6 : memref<128xi32, #tpu.memory_space<vmem>>) semaphore(%arg13 : memref<!tpu.dma_semaphore, #tpu.memory_space<semaphore_mem>>)
    %scan3A_23 = arith.constant 0 : i32
    %scan3A_24 = arith.constant 0 : i32
    %scan3A_25 = arith.constant 40 : i32
    %scan3A_26 = arith.addi %scan3A_24, %scan3A_25 : i32
    %scan3A_27 = arith.constant 1 : i32
    %scan3A_28 = scf.for %scan3A_38 = %scan3A_24 to %scan3A_26 step %scan3A_27 iter_args(%scan3A_39 = %scan3A_23) -> (i32)  : i32 {
      %mul3A_40 = arith.constant 2 : i32
      %mul3A_41 = arith.muli %mul3A_40, %scan3A_38 : i32
      %add3A_42 = arith.constant 0 : i32
      %add3A_43 = arith.addi %mul3A_41, %add3A_42 : i32
      %dma_wait3A = arith.constant 0 : i32
      %dma_wait3A_44 = arith.constant 0 : i32
      %dma_wait3A_45 = tpu.memref_slice %arg2[%dma_wait3A, %dma_wait3A_44] : memref<10112x128xf32, #tpu.memory_space<hbm>> -> memref<10112x128xf32, #tpu.memory_space<hbm>>
      tpu.wait_indirect_dma semaphore(%arg13 : memref<!tpu.dma_semaphore, #tpu.memory_space<semaphore_mem>>) src(%dma_wait3A_45 : memref<10112x128xf32, #tpu.memory_space<hbm>>) dst(%arg10 : memref<128x128xf32, #tpu.memory_space<vmem>>)
      %add3A_46 = arith.constant 1 : i32
      %add3A_47 = arith.addi %add3A_43, %add3A_46 : i32
      %mul3A_48 = arith.constant 128 : i32
      %mul3A_49 = arith.muli %add3A_47, %mul3A_48 : i32
      %add3A_50 = arith.addi %mul3A_20, %mul3A_49 : i32
      "tpu.region"() ({
        %run_scoped3A = tpu.sem_alloc : memref<!tpu.dma_semaphore, #tpu.memory_space<semaphore_mem>>
        %dma_start3A_64 = tpu.memref_slice %arg3[%add3A_50] : memref<327680xi32, #tpu.memory_space<hbm>> -> memref<128xi32, #tpu.memory_space<hbm>>
        %dma_start3A_65 = tpu.memref_slice %arg3[%add3A_50] : memref<327680xi32, #tpu.memory_space<hbm>> -> memref<128xi32, #tpu.memory_space<hbm>>
        tpu.enqueue_dma source(%dma_start3A_65 : memref<128xi32, #tpu.memory_space<hbm>>) target(%arg8 : memref<128xi32, #tpu.memory_space<vmem>>) target_semaphore(%run_scoped3A : memref<!tpu.dma_semaphore, #tpu.memory_space<semaphore_mem>>)
        %dma_wait3A_66 = tpu.memref_slice %arg3[%add3A_50] : memref<327680xi32, #tpu.memory_space<hbm>> -> memref<128xi32, #tpu.memory_space<hbm>>
        %dma_wait3A_67 = tpu.memref_slice %arg3[%add3A_50] : memref<327680xi32, #tpu.memory_space<hbm>> -> memref<128xi32, #tpu.memory_space<hbm>>
        tpu.wait_dma2 semaphore(%run_scoped3A : memref<!tpu.dma_semaphore, #tpu.memory_space<semaphore_mem>>) src(%dma_wait3A_67 : memref<128xi32, #tpu.memory_space<hbm>>) dst(%arg8 : memref<128xi32, #tpu.memory_space<vmem>>)
        tpu.yield
      }) : () -> ()
      "tpu.region"() ({
        %run_scoped3A = tpu.sem_alloc : memref<!tpu.dma_semaphore, #tpu.memory_space<semaphore_mem>>
        %dma_start3A_64 = tpu.memref_slice %arg4[%add3A_50] : memref<327680xi32, #tpu.memory_space<hbm>> -> memref<128xi32, #tpu.memory_space<hbm>>
        %dma_start3A_65 = tpu.memref_slice %arg4[%add3A_50] : memref<327680xi32, #tpu.memory_space<hbm>> -> memref<128xi32, #tpu.memory_space<hbm>>
        tpu.enqueue_dma source(%dma_start3A_65 : memref<128xi32, #tpu.memory_space<hbm>>) target(%arg9 : memref<128xi32, #tpu.memory_space<vmem>>) target_semaphore(%run_scoped3A : memref<!tpu.dma_semaphore, #tpu.memory_space<semaphore_mem>>)
        %dma_wait3A_66 = tpu.memref_slice %arg4[%add3A_50] : memref<327680xi32, #tpu.memory_space<hbm>> -> memref<128xi32, #tpu.memory_space<hbm>>
        %dma_wait3A_67 = tpu.memref_slice %arg4[%add3A_50] : memref<327680xi32, #tpu.memory_space<hbm>> -> memref<128xi32, #tpu.memory_space<hbm>>
        tpu.wait_dma2 semaphore(%run_scoped3A : memref<!tpu.dma_semaphore, #tpu.memory_space<semaphore_mem>>) src(%dma_wait3A_67 : memref<128xi32, #tpu.memory_space<hbm>>) dst(%arg9 : memref<128xi32, #tpu.memory_space<vmem>>)
        tpu.yield
      }) : () -> ()
      %dma_start3A_51 = arith.constant 0 : i32
      %dma_start3A_52 = arith.constant 0 : i32
      %dma_start3A_53 = tpu.memref_slice %arg2[%dma_start3A_51, %dma_start3A_52] : memref<10112x128xf32, #tpu.memory_space<hbm>> -> memref<10112x128xf32, #tpu.memory_space<hbm>>
      tpu.enqueue_indirect_dma source(%dma_start3A_53 : memref<10112x128xf32, #tpu.memory_space<hbm>>) target(%arg11 : memref<128x128xf32, #tpu.memory_space<vmem>>) offsets(%arg8 : memref<128xi32, #tpu.memory_space<vmem>>) semaphore(%arg14 : memref<!tpu.dma_semaphore, #tpu.memory_space<semaphore_mem>>)
      "tpu.region"() ({
        %run_scoped3A = tpu.sem_alloc : memref<!tpu.dma_semaphore, #tpu.memory_space<semaphore_mem>>
        %dma_start3A_64 = arith.constant 0 : i32
        %dma_start3A_65 = arith.constant 0 : i32
        %dma_start3A_66 = tpu.memref_slice %arg12[%dma_start3A_64, %dma_start3A_65] : memref<10112x128xf32, #tpu.memory_space<vmem_shared>> -> memref<10112x128xf32, #tpu.memory_space<vmem_shared>>
        tpu.enqueue_indirect_dma source(%arg10 : memref<128x128xf32, #tpu.memory_space<vmem>>) target(%dma_start3A_66 : memref<10112x128xf32, #tpu.memory_space<vmem_shared>>) offsets(%arg7 : memref<128xi32, #tpu.memory_space<vmem>>) semaphore(%run_scoped3A : memref<!tpu.dma_semaphore, #tpu.memory_space<semaphore_mem>>) {add = true}
        %dma_wait3A_67 = arith.constant 0 : i32
        %dma_wait3A_68 = arith.constant 0 : i32
        %dma_wait3A_69 = tpu.memref_slice %arg12[%dma_wait3A_67, %dma_wait3A_68] : memref<10112x128xf32, #tpu.memory_space<vmem_shared>> -> memref<10112x128xf32, #tpu.memory_space<vmem_shared>>
        tpu.wait_indirect_dma semaphore(%run_scoped3A : memref<!tpu.dma_semaphore, #tpu.memory_space<semaphore_mem>>) src(%arg10 : memref<128x128xf32, #tpu.memory_space<vmem>>) dst(%dma_wait3A_69 : memref<10112x128xf32, #tpu.memory_space<vmem_shared>>)
        tpu.yield
      }) : () -> ()
      %mul3A_54 = arith.constant 2 : i32
      %mul3A_55 = arith.muli %mul3A_54, %scan3A_38 : i32
      %add3A_56 = arith.constant 1 : i32
      %add3A_57 = arith.addi %mul3A_55, %add3A_56 : i32
      %dma_wait3A_58 = arith.constant 0 : i32
      %dma_wait3A_59 = arith.constant 0 : i32
      %dma_wait3A_60 = tpu.memref_slice %arg2[%dma_wait3A_58, %dma_wait3A_59] : memref<10112x128xf32, #tpu.memory_space<hbm>> -> memref<10112x128xf32, #tpu.memory_space<hbm>>
      tpu.wait_indirect_dma semaphore(%arg14 : memref<!tpu.dma_semaphore, #tpu.memory_space<semaphore_mem>>) src(%dma_wait3A_60 : memref<10112x128xf32, #tpu.memory_space<hbm>>) dst(%arg11 : memref<128x128xf32, #tpu.memory_space<vmem>>)
      %lt3A = arith.constant 39 : i32
      %lt3A_61 = arith.cmpi slt, %scan3A_38, %lt3A : i32
      %convert_element_type3A = arith.extui %lt3A_61 : i1 to i32
      %cond3A = arith.constant 0 : i32
      %cond3A_62 = arith.cmpi ne, %convert_element_type3A, %cond3A : i32
      scf.if %cond3A_62 {
        %add3A_64 = arith.constant 1 : i32
        %add3A_65 = arith.addi %add3A_57, %add3A_64 : i32
        %mul3A_66 = arith.constant 128 : i32
        %mul3A_67 = arith.muli %add3A_65, %mul3A_66 : i32
        %add3A_68 = arith.addi %mul3A_20, %mul3A_67 : i32
        "tpu.region"() ({
          %run_scoped3A = tpu.sem_alloc : memref<!tpu.dma_semaphore, #tpu.memory_space<semaphore_mem>>
          %dma_start3A_72 = tpu.memref_slice %arg3[%add3A_68] : memref<327680xi32, #tpu.memory_space<hbm>> -> memref<128xi32, #tpu.memory_space<hbm>>
          %dma_start3A_73 = tpu.memref_slice %arg3[%add3A_68] : memref<327680xi32, #tpu.memory_space<hbm>> -> memref<128xi32, #tpu.memory_space<hbm>>
          tpu.enqueue_dma source(%dma_start3A_73 : memref<128xi32, #tpu.memory_space<hbm>>) target(%arg6 : memref<128xi32, #tpu.memory_space<vmem>>) target_semaphore(%run_scoped3A : memref<!tpu.dma_semaphore, #tpu.memory_space<semaphore_mem>>)
          %dma_wait3A_74 = tpu.memref_slice %arg3[%add3A_68] : memref<327680xi32, #tpu.memory_space<hbm>> -> memref<128xi32, #tpu.memory_space<hbm>>
          %dma_wait3A_75 = tpu.memref_slice %arg3[%add3A_68] : memref<327680xi32, #tpu.memory_space<hbm>> -> memref<128xi32, #tpu.memory_space<hbm>>
          tpu.wait_dma2 semaphore(%run_scoped3A : memref<!tpu.dma_semaphore, #tpu.memory_space<semaphore_mem>>) src(%dma_wait3A_75 : memref<128xi32, #tpu.memory_space<hbm>>) dst(%arg6 : memref<128xi32, #tpu.memory_space<vmem>>)
          tpu.yield
        }) : () -> ()
        "tpu.region"() ({
          %run_scoped3A = tpu.sem_alloc : memref<!tpu.dma_semaphore, #tpu.memory_space<semaphore_mem>>
          %dma_start3A_72 = tpu.memref_slice %arg4[%add3A_68] : memref<327680xi32, #tpu.memory_space<hbm>> -> memref<128xi32, #tpu.memory_space<hbm>>
          %dma_start3A_73 = tpu.memref_slice %arg4[%add3A_68] : memref<327680xi32, #tpu.memory_space<hbm>> -> memref<128xi32, #tpu.memory_space<hbm>>
          tpu.enqueue_dma source(%dma_start3A_73 : memref<128xi32, #tpu.memory_space<hbm>>) target(%arg7 : memref<128xi32, #tpu.memory_space<vmem>>) target_semaphore(%run_scoped3A : memref<!tpu.dma_semaphore, #tpu.memory_space<semaphore_mem>>)
          %dma_wait3A_74 = tpu.memref_slice %arg4[%add3A_68] : memref<327680xi32, #tpu.memory_space<hbm>> -> memref<128xi32, #tpu.memory_space<hbm>>
          %dma_wait3A_75 = tpu.memref_slice %arg4[%add3A_68] : memref<327680xi32, #tpu.memory_space<hbm>> -> memref<128xi32, #tpu.memory_space<hbm>>
          tpu.wait_dma2 semaphore(%run_scoped3A : memref<!tpu.dma_semaphore, #tpu.memory_space<semaphore_mem>>) src(%dma_wait3A_75 : memref<128xi32, #tpu.memory_space<hbm>>) dst(%arg7 : memref<128xi32, #tpu.memory_space<vmem>>)
          tpu.yield
        }) : () -> ()
        %dma_start3A_69 = arith.constant 0 : i32
        %dma_start3A_70 = arith.constant 0 : i32
        %dma_start3A_71 = tpu.memref_slice %arg2[%dma_start3A_69, %dma_start3A_70] : memref<10112x128xf32, #tpu.memory_space<hbm>> -> memref<10112x128xf32, #tpu.memory_space<hbm>>
        tpu.enqueue_indirect_dma source(%dma_start3A_71 : memref<10112x128xf32, #tpu.memory_space<hbm>>) target(%arg10 : memref<128x128xf32, #tpu.memory_space<vmem>>) offsets(%arg6 : memref<128xi32, #tpu.memory_space<vmem>>) semaphore(%arg13 : memref<!tpu.dma_semaphore, #tpu.memory_space<semaphore_mem>>)
      } else {
      }
      "tpu.region"() ({
        %run_scoped3A = tpu.sem_alloc : memref<!tpu.dma_semaphore, #tpu.memory_space<semaphore_mem>>
        %dma_start3A_64 = arith.constant 0 : i32
        %dma_start3A_65 = arith.constant 0 : i32
        %dma_start3A_66 = tpu.memref_slice %arg12[%dma_start3A_64, %dma_start3A_65] : memref<10112x128xf32, #tpu.memory_space<vmem_shared>> -> memref<10112x128xf32, #tpu.memory_space<vmem_shared>>
        tpu.enqueue_indirect_dma source(%arg11 : memref<128x128xf32, #tpu.memory_space<vmem>>) target(%dma_start3A_66 : memref<10112x128xf32, #tpu.memory_space<vmem_shared>>) offsets(%arg9 : memref<128xi32, #tpu.memory_space<vmem>>) semaphore(%run_scoped3A : memref<!tpu.dma_semaphore, #tpu.memory_space<semaphore_mem>>) {add = true}
        %dma_wait3A_67 = arith.constant 0 : i32
        %dma_wait3A_68 = arith.constant 0 : i32
        %dma_wait3A_69 = tpu.memref_slice %arg12[%dma_wait3A_67, %dma_wait3A_68] : memref<10112x128xf32, #tpu.memory_space<vmem_shared>> -> memref<10112x128xf32, #tpu.memory_space<vmem_shared>>
        tpu.wait_indirect_dma semaphore(%run_scoped3A : memref<!tpu.dma_semaphore, #tpu.memory_space<semaphore_mem>>) src(%arg11 : memref<128x128xf32, #tpu.memory_space<vmem>>) dst(%dma_wait3A_69 : memref<10112x128xf32, #tpu.memory_space<vmem_shared>>)
        tpu.yield
      }) : () -> ()
      %scan3A_63 = arith.constant 0 : i32
      scf.yield %scan3A_63 : i32
    }
    %scan3A_29 = arith.constant 40 : i32
    %barrier3A_30 = arith.constant 0 : index
    tpu.barrier barrier_id(%barrier3A_30)
    %mul3A_31 = arith.constant 632 : i32
    %mul3A_32 = arith.muli %arg1, %mul3A_31 : i32
    %mul3A_33 = arith.constant 10112 : i32
    %mul3A_34 = arith.muli %arg0, %mul3A_33 : i32
    %mul3A_35 = arith.constant 632 : i32
    %mul3A_36 = arith.muli %arg1, %mul3A_35 : i32
    %add3A_37 = arith.addi %mul3A_34, %mul3A_36 : i32
    "tpu.region"() ({
      %run_scoped3A = tpu.sem_alloc : memref<!tpu.dma_semaphore, #tpu.memory_space<semaphore_mem>>
      %dma_start3A_38 = arith.constant 0 : i32
      %dma_start3A_39 = tpu.memref_slice %arg5[%add3A_37, %dma_start3A_38] : memref<20224x128xf32, #tpu.memory_space<hbm>> -> memref<632x128xf32, #tpu.memory_space<hbm>>
      %dma_start3A_40 = arith.constant 0 : i32
      %dma_start3A_41 = tpu.memref_slice %arg12[%mul3A_32, %dma_start3A_40] : memref<10112x128xf32, #tpu.memory_space<vmem_shared>> -> memref<632x128xf32, #tpu.memory_space<vmem_shared>>
      tpu.enqueue_dma source(%dma_start3A_41 : memref<632x128xf32, #tpu.memory_space<vmem_shared>>) target(%dma_start3A_39 : memref<632x128xf32, #tpu.memory_space<hbm>>) target_semaphore(%run_scoped3A : memref<!tpu.dma_semaphore, #tpu.memory_space<semaphore_mem>>)
      %dma_wait3A = arith.constant 0 : i32
      %dma_wait3A_42 = tpu.memref_slice %arg5[%add3A_37, %dma_wait3A] : memref<20224x128xf32, #tpu.memory_space<hbm>> -> memref<632x128xf32, #tpu.memory_space<hbm>>
      %dma_wait3A_43 = arith.constant 0 : i32
      %dma_wait3A_44 = tpu.memref_slice %arg12[%mul3A_32, %dma_wait3A_43] : memref<10112x128xf32, #tpu.memory_space<vmem_shared>> -> memref<632x128xf32, #tpu.memory_space<vmem_shared>>
      tpu.wait_dma2 semaphore(%run_scoped3A : memref<!tpu.dma_semaphore, #tpu.memory_space<semaphore_mem>>) src(%dma_wait3A_44 : memref<632x128xf32, #tpu.memory_space<vmem_shared>>) dst(%dma_wait3A_42 : memref<632x128xf32, #tpu.memory_space<hbm>>)
      tpu.yield
    }) : () -> ()
    return
  }
}

#map = affine_map<(d0, d1) -> (0, 0)>
#map1 = affine_map<(d0, d1) -> (0)>
module attributes {stable_mosaic.version = 14 : i64} {
  func.func @_sc_agg_body(%arg0: i32, %arg1: i32, %arg2: memref<10112x128xf32, #tpu.memory_space<hbm>>, %arg3: memref<327680xi32, #tpu.memory_space<hbm>>, %arg4: memref<327680xi32, #tpu.memory_space<hbm>>, %arg5: memref<20224x128xf32, #tpu.memory_space<hbm>>, %arg6: memref<128xi32, #tpu.memory_space<vmem>>, %arg7: memref<128xi32, #tpu.memory_space<vmem>>, %arg8: memref<128xi32, #tpu.memory_space<vmem>>, %arg9: memref<128xi32, #tpu.memory_space<vmem>>, %arg10: memref<128x128xf32, #tpu.memory_space<vmem>>, %arg11: memref<128x128xf32, #tpu.memory_space<vmem>>, %arg12: memref<10112x128xf32, #tpu.memory_space<vmem_shared>>, %arg13: memref<!tpu.dma_semaphore, #tpu.memory_space<semaphore_mem>>, %arg14: memref<!tpu.dma_semaphore, #tpu.memory_space<semaphore_mem>>) attributes {dimension_semantics = [#tpu.dimension_semantics<core_parallel>, #tpu.dimension_semantics<subcore_parallel>], iteration_bounds = array<i64: 2, 16>, scalar_prefetch = 0 : i64, scratch_operands = 9 : i64, tpu.core_type = #tpu.core_type<sc_vector_subcore>, window_params = [{transform_indices = #map}, {transform_indices = #map1}, {transform_indices = #map1}, {transform_indices = #map}]} {
    %mul3A = arith.constant 2 : i32
    %mul3A_0 = arith.muli %arg1, %mul3A : i32
    %add3A = arith.addi %mul3A_0, %arg0 : i32
    %scan3A = arith.constant 0 : i32
    %scan3A_1 = arith.constant 0 : i32
    %scan3A_2 = arith.constant 128 : i32
    %scan3A_3 = arith.addi %scan3A_1, %scan3A_2 : i32
    %scan3A_4 = arith.constant 1 : i32
    %scan3A_5 = scf.for %scan3A_38 = %scan3A_1 to %scan3A_3 step %scan3A_4 iter_args(%scan3A_39 = %scan3A) -> (i32)  : i32 {
      %broadcast_in_dim3A = arith.constant 0.000000e+00 : f32
      %broadcast_in_dim3A_40 = vector.broadcast %broadcast_in_dim3A : f32 to vector<16xf32>
      %swap3A = arith.index_cast %scan3A_38 : i32 to index
      %swap3A_41 = arith.constant 0 : index
      %swap3A_42 = tpu.vector_load %arg10[%swap3A, %swap3A_41] {strides = array<i32>} : memref<128x128xf32, #tpu.memory_space<vmem>>, vector<1x16xf32>,
      %swap3A_43 = vector.shape_cast %swap3A_42 : vector<1x16xf32> to vector<16xf32>
      %swap3A_44 = vector.shape_cast %broadcast_in_dim3A_40 : vector<16xf32> to vector<1x16xf32>
      tpu.vector_store %arg10[%swap3A, %swap3A_41], %swap3A_44 {strides = array<i32>} : memref<128x128xf32, #tpu.memory_space<vmem>>, vector<1x16xf32>,
      %broadcast_in_dim3A_45 = arith.constant 0.000000e+00 : f32
      %broadcast_in_dim3A_46 = vector.broadcast %broadcast_in_dim3A_45 : f32 to vector<16xf32>
      %swap3A_47 = arith.index_cast %scan3A_38 : i32 to index
      %swap3A_48 = arith.constant 16 : index
      %swap3A_49 = tpu.vector_load %arg10[%swap3A_47, %swap3A_48] {strides = array<i32>} : memref<128x128xf32, #tpu.memory_space<vmem>>, vector<1x16xf32>,
      %swap3A_50 = vector.shape_cast %swap3A_49 : vector<1x16xf32> to vector<16xf32>
      %swap3A_51 = vector.shape_cast %broadcast_in_dim3A_46 : vector<16xf32> to vector<1x16xf32>
      tpu.vector_store %arg10[%swap3A_47, %swap3A_48], %swap3A_51 {strides = array<i32>} : memref<128x128xf32, #tpu.memory_space<vmem>>, vector<1x16xf32>,
      %broadcast_in_dim3A_52 = arith.constant 0.000000e+00 : f32
      %broadcast_in_dim3A_53 = vector.broadcast %broadcast_in_dim3A_52 : f32 to vector<16xf32>
      %swap3A_54 = arith.index_cast %scan3A_38 : i32 to index
      %swap3A_55 = arith.constant 32 : index
      %swap3A_56 = tpu.vector_load %arg10[%swap3A_54, %swap3A_55] {strides = array<i32>} : memref<128x128xf32, #tpu.memory_space<vmem>>, vector<1x16xf32>,
      %swap3A_57 = vector.shape_cast %swap3A_56 : vector<1x16xf32> to vector<16xf32>
      %swap3A_58 = vector.shape_cast %broadcast_in_dim3A_53 : vector<16xf32> to vector<1x16xf32>
      tpu.vector_store %arg10[%swap3A_54, %swap3A_55], %swap3A_58 {strides = array<i32>} : memref<128x128xf32, #tpu.memory_space<vmem>>, vector<1x16xf32>,
      %broadcast_in_dim3A_59 = arith.constant 0.000000e+00 : f32
      %broadcast_in_dim3A_60 = vector.broadcast %broadcast_in_dim3A_59 : f32 to vector<16xf32>
      %swap3A_61 = arith.index_cast %scan3A_38 : i32 to index
      %swap3A_62 = arith.constant 48 : index
      %swap3A_63 = tpu.vector_load %arg10[%swap3A_61, %swap3A_62] {strides = array<i32>} : memref<128x128xf32, #tpu.memory_space<vmem>>, vector<1x16xf32>,
      %swap3A_64 = vector.shape_cast %swap3A_63 : vector<1x16xf32> to vector<16xf32>
      %swap3A_65 = vector.shape_cast %broadcast_in_dim3A_60 : vector<16xf32> to vector<1x16xf32>
      tpu.vector_store %arg10[%swap3A_61, %swap3A_62], %swap3A_65 {strides = array<i32>} : memref<128x128xf32, #tpu.memory_space<vmem>>, vector<1x16xf32>,
      %broadcast_in_dim3A_66 = arith.constant 0.000000e+00 : f32
      %broadcast_in_dim3A_67 = vector.broadcast %broadcast_in_dim3A_66 : f32 to vector<16xf32>
      %swap3A_68 = arith.index_cast %scan3A_38 : i32 to index
      %swap3A_69 = arith.constant 64 : index
      %swap3A_70 = tpu.vector_load %arg10[%swap3A_68, %swap3A_69] {strides = array<i32>} : memref<128x128xf32, #tpu.memory_space<vmem>>, vector<1x16xf32>,
      %swap3A_71 = vector.shape_cast %swap3A_70 : vector<1x16xf32> to vector<16xf32>
      %swap3A_72 = vector.shape_cast %broadcast_in_dim3A_67 : vector<16xf32> to vector<1x16xf32>
      tpu.vector_store %arg10[%swap3A_68, %swap3A_69], %swap3A_72 {strides = array<i32>} : memref<128x128xf32, #tpu.memory_space<vmem>>, vector<1x16xf32>,
      %broadcast_in_dim3A_73 = arith.constant 0.000000e+00 : f32
      %broadcast_in_dim3A_74 = vector.broadcast %broadcast_in_dim3A_73 : f32 to vector<16xf32>
      %swap3A_75 = arith.index_cast %scan3A_38 : i32 to index
      %swap3A_76 = arith.constant 80 : index
      %swap3A_77 = tpu.vector_load %arg10[%swap3A_75, %swap3A_76] {strides = array<i32>} : memref<128x128xf32, #tpu.memory_space<vmem>>, vector<1x16xf32>,
      %swap3A_78 = vector.shape_cast %swap3A_77 : vector<1x16xf32> to vector<16xf32>
      %swap3A_79 = vector.shape_cast %broadcast_in_dim3A_74 : vector<16xf32> to vector<1x16xf32>
      tpu.vector_store %arg10[%swap3A_75, %swap3A_76], %swap3A_79 {strides = array<i32>} : memref<128x128xf32, #tpu.memory_space<vmem>>, vector<1x16xf32>,
      %broadcast_in_dim3A_80 = arith.constant 0.000000e+00 : f32
      %broadcast_in_dim3A_81 = vector.broadcast %broadcast_in_dim3A_80 : f32 to vector<16xf32>
      %swap3A_82 = arith.index_cast %scan3A_38 : i32 to index
      %swap3A_83 = arith.constant 96 : index
      %swap3A_84 = tpu.vector_load %arg10[%swap3A_82, %swap3A_83] {strides = array<i32>} : memref<128x128xf32, #tpu.memory_space<vmem>>, vector<1x16xf32>,
      %swap3A_85 = vector.shape_cast %swap3A_84 : vector<1x16xf32> to vector<16xf32>
      %swap3A_86 = vector.shape_cast %broadcast_in_dim3A_81 : vector<16xf32> to vector<1x16xf32>
      tpu.vector_store %arg10[%swap3A_82, %swap3A_83], %swap3A_86 {strides = array<i32>} : memref<128x128xf32, #tpu.memory_space<vmem>>, vector<1x16xf32>,
      %broadcast_in_dim3A_87 = arith.constant 0.000000e+00 : f32
      %broadcast_in_dim3A_88 = vector.broadcast %broadcast_in_dim3A_87 : f32 to vector<16xf32>
      %swap3A_89 = arith.index_cast %scan3A_38 : i32 to index
      %swap3A_90 = arith.constant 112 : index
      %swap3A_91 = tpu.vector_load %arg10[%swap3A_89, %swap3A_90] {strides = array<i32>} : memref<128x128xf32, #tpu.memory_space<vmem>>, vector<1x16xf32>,
      %swap3A_92 = vector.shape_cast %swap3A_91 : vector<1x16xf32> to vector<16xf32>
      %swap3A_93 = vector.shape_cast %broadcast_in_dim3A_88 : vector<16xf32> to vector<1x16xf32>
      tpu.vector_store %arg10[%swap3A_89, %swap3A_90], %swap3A_93 {strides = array<i32>} : memref<128x128xf32, #tpu.memory_space<vmem>>, vector<1x16xf32>,
      %scan3A_94 = arith.constant 0 : i32
      scf.yield %scan3A_94 : i32
    }
    %scan3A_6 = arith.constant 128 : i32
    %mul3A_7 = arith.constant 632 : i32
    %mul3A_8 = arith.muli %arg1, %mul3A_7 : i32
    %add3A_9 = arith.constant 0 : i32
    %add3A_10 = arith.addi %mul3A_8, %add3A_9 : i32
    "tpu.region"() ({
      %run_scoped3A = tpu.sem_alloc : memref<!tpu.dma_semaphore, #tpu.memory_space<semaphore_mem>>
      %dma_start3A_38 = arith.constant 0 : i32
      %dma_start3A_39 = tpu.memref_slice %arg12[%add3A_10, %dma_start3A_38] : memref<10112x128xf32, #tpu.memory_space<vmem_shared>> -> memref<128x128xf32, #tpu.memory_space<vmem_shared>>
      %dma_start3A_40 = arith.constant 0 : i32
      %dma_start3A_41 = tpu.memref_slice %arg12[%add3A_10, %dma_start3A_40] : memref<10112x128xf32, #tpu.memory_space<vmem_shared>> -> memref<128x128xf32, #tpu.memory_space<vmem_shared>>
      tpu.enqueue_dma source(%arg10 : memref<128x128xf32, #tpu.memory_space<vmem>>) target(%dma_start3A_41 : memref<128x128xf32, #tpu.memory_space<vmem_shared>>) target_semaphore(%run_scoped3A : memref<!tpu.dma_semaphore, #tpu.memory_space<semaphore_mem>>)
      %dma_wait3A = arith.constant 0 : i32
      %dma_wait3A_42 = tpu.memref_slice %arg12[%add3A_10, %dma_wait3A] : memref<10112x128xf32, #tpu.memory_space<vmem_shared>> -> memref<128x128xf32, #tpu.memory_space<vmem_shared>>
      %dma_wait3A_43 = arith.constant 0 : i32
      %dma_wait3A_44 = tpu.memref_slice %arg12[%add3A_10, %dma_wait3A_43] : memref<10112x128xf32, #tpu.memory_space<vmem_shared>> -> memref<128x128xf32, #tpu.memory_space<vmem_shared>>
      tpu.wait_dma2 semaphore(%run_scoped3A : memref<!tpu.dma_semaphore, #tpu.memory_space<semaphore_mem>>) src(%arg10 : memref<128x128xf32, #tpu.memory_space<vmem>>) dst(%dma_wait3A_44 : memref<128x128xf32, #tpu.memory_space<vmem_shared>>)
      tpu.yield
    }) : () -> ()
    %add3A_11 = arith.constant 128 : i32
    %add3A_12 = arith.addi %mul3A_8, %add3A_11 : i32
    "tpu.region"() ({
      %run_scoped3A = tpu.sem_alloc : memref<!tpu.dma_semaphore, #tpu.memory_space<semaphore_mem>>
      %dma_start3A_38 = arith.constant 0 : i32
      %dma_start3A_39 = tpu.memref_slice %arg12[%add3A_12, %dma_start3A_38] : memref<10112x128xf32, #tpu.memory_space<vmem_shared>> -> memref<128x128xf32, #tpu.memory_space<vmem_shared>>
      %dma_start3A_40 = arith.constant 0 : i32
      %dma_start3A_41 = tpu.memref_slice %arg12[%add3A_12, %dma_start3A_40] : memref<10112x128xf32, #tpu.memory_space<vmem_shared>> -> memref<128x128xf32, #tpu.memory_space<vmem_shared>>
      tpu.enqueue_dma source(%arg10 : memref<128x128xf32, #tpu.memory_space<vmem>>) target(%dma_start3A_41 : memref<128x128xf32, #tpu.memory_space<vmem_shared>>) target_semaphore(%run_scoped3A : memref<!tpu.dma_semaphore, #tpu.memory_space<semaphore_mem>>)
      %dma_wait3A = arith.constant 0 : i32
      %dma_wait3A_42 = tpu.memref_slice %arg12[%add3A_12, %dma_wait3A] : memref<10112x128xf32, #tpu.memory_space<vmem_shared>> -> memref<128x128xf32, #tpu.memory_space<vmem_shared>>
      %dma_wait3A_43 = arith.constant 0 : i32
      %dma_wait3A_44 = tpu.memref_slice %arg12[%add3A_12, %dma_wait3A_43] : memref<10112x128xf32, #tpu.memory_space<vmem_shared>> -> memref<128x128xf32, #tpu.memory_space<vmem_shared>>
      tpu.wait_dma2 semaphore(%run_scoped3A : memref<!tpu.dma_semaphore, #tpu.memory_space<semaphore_mem>>) src(%arg10 : memref<128x128xf32, #tpu.memory_space<vmem>>) dst(%dma_wait3A_44 : memref<128x128xf32, #tpu.memory_space<vmem_shared>>)
      tpu.yield
    }) : () -> ()
    %add3A_13 = arith.constant 256 : i32
    %add3A_14 = arith.addi %mul3A_8, %add3A_13 : i32
    "tpu.region"() ({
      %run_scoped3A = tpu.sem_alloc : memref<!tpu.dma_semaphore, #tpu.memory_space<semaphore_mem>>
      %dma_start3A_38 = arith.constant 0 : i32
      %dma_start3A_39 = tpu.memref_slice %arg12[%add3A_14, %dma_start3A_38] : memref<10112x128xf32, #tpu.memory_space<vmem_shared>> -> memref<128x128xf32, #tpu.memory_space<vmem_shared>>
      %dma_start3A_40 = arith.constant 0 : i32
      %dma_start3A_41 = tpu.memref_slice %arg12[%add3A_14, %dma_start3A_40] : memref<10112x128xf32, #tpu.memory_space<vmem_shared>> -> memref<128x128xf32, #tpu.memory_space<vmem_shared>>
      tpu.enqueue_dma source(%arg10 : memref<128x128xf32, #tpu.memory_space<vmem>>) target(%dma_start3A_41 : memref<128x128xf32, #tpu.memory_space<vmem_shared>>) target_semaphore(%run_scoped3A : memref<!tpu.dma_semaphore, #tpu.memory_space<semaphore_mem>>)
      %dma_wait3A = arith.constant 0 : i32
      %dma_wait3A_42 = tpu.memref_slice %arg12[%add3A_14, %dma_wait3A] : memref<10112x128xf32, #tpu.memory_space<vmem_shared>> -> memref<128x128xf32, #tpu.memory_space<vmem_shared>>
      %dma_wait3A_43 = arith.constant 0 : i32
      %dma_wait3A_44 = tpu.memref_slice %arg12[%add3A_14, %dma_wait3A_43] : memref<10112x128xf32, #tpu.memory_space<vmem_shared>> -> memref<128x128xf32, #tpu.memory_space<vmem_shared>>
      tpu.wait_dma2 semaphore(%run_scoped3A : memref<!tpu.dma_semaphore, #tpu.memory_space<semaphore_mem>>) src(%arg10 : memref<128x128xf32, #tpu.memory_space<vmem>>) dst(%dma_wait3A_44 : memref<128x128xf32, #tpu.memory_space<vmem_shared>>)
      tpu.yield
    }) : () -> ()
    %add3A_15 = arith.constant 384 : i32
    %add3A_16 = arith.addi %mul3A_8, %add3A_15 : i32
    "tpu.region"() ({
      %run_scoped3A = tpu.sem_alloc : memref<!tpu.dma_semaphore, #tpu.memory_space<semaphore_mem>>
      %dma_start3A_38 = arith.constant 0 : i32
      %dma_start3A_39 = tpu.memref_slice %arg12[%add3A_16, %dma_start3A_38] : memref<10112x128xf32, #tpu.memory_space<vmem_shared>> -> memref<128x128xf32, #tpu.memory_space<vmem_shared>>
      %dma_start3A_40 = arith.constant 0 : i32
      %dma_start3A_41 = tpu.memref_slice %arg12[%add3A_16, %dma_start3A_40] : memref<10112x128xf32, #tpu.memory_space<vmem_shared>> -> memref<128x128xf32, #tpu.memory_space<vmem_shared>>
      tpu.enqueue_dma source(%arg10 : memref<128x128xf32, #tpu.memory_space<vmem>>) target(%dma_start3A_41 : memref<128x128xf32, #tpu.memory_space<vmem_shared>>) target_semaphore(%run_scoped3A : memref<!tpu.dma_semaphore, #tpu.memory_space<semaphore_mem>>)
      %dma_wait3A = arith.constant 0 : i32
      %dma_wait3A_42 = tpu.memref_slice %arg12[%add3A_16, %dma_wait3A] : memref<10112x128xf32, #tpu.memory_space<vmem_shared>> -> memref<128x128xf32, #tpu.memory_space<vmem_shared>>
      %dma_wait3A_43 = arith.constant 0 : i32
      %dma_wait3A_44 = tpu.memref_slice %arg12[%add3A_16, %dma_wait3A_43] : memref<10112x128xf32, #tpu.memory_space<vmem_shared>> -> memref<128x128xf32, #tpu.memory_space<vmem_shared>>
      tpu.wait_dma2 semaphore(%run_scoped3A : memref<!tpu.dma_semaphore, #tpu.memory_space<semaphore_mem>>) src(%arg10 : memref<128x128xf32, #tpu.memory_space<vmem>>) dst(%dma_wait3A_44 : memref<128x128xf32, #tpu.memory_space<vmem_shared>>)
      tpu.yield
    }) : () -> ()
    %add3A_17 = arith.constant 512 : i32
    %add3A_18 = arith.addi %mul3A_8, %add3A_17 : i32
    "tpu.region"() ({
      %run_scoped3A = tpu.sem_alloc : memref<!tpu.dma_semaphore, #tpu.memory_space<semaphore_mem>>
      %dma_start3A_38 = arith.constant 0 : i32
      %dma_start3A_39 = arith.constant 0 : i32
      %dma_start3A_40 = tpu.memref_slice %arg10[%dma_start3A_38, %dma_start3A_39] : memref<128x128xf32, #tpu.memory_space<vmem>> -> memref<120x128xf32, #tpu.memory_space<vmem>>
      %dma_start3A_41 = arith.constant 0 : i32
      %dma_start3A_42 = tpu.memref_slice %arg12[%add3A_18, %dma_start3A_41] : memref<10112x128xf32, #tpu.memory_space<vmem_shared>> -> memref<120x128xf32, #tpu.memory_space<vmem_shared>>
      %dma_start3A_43 = arith.constant 0 : i32
      %dma_start3A_44 = tpu.memref_slice %arg12[%add3A_18, %dma_start3A_43] : memref<10112x128xf32, #tpu.memory_space<vmem_shared>> -> memref<120x128xf32, #tpu.memory_space<vmem_shared>>
      %dma_start3A_45 = arith.constant 0 : i32
      %dma_start3A_46 = arith.constant 0 : i32
      %dma_start3A_47 = tpu.memref_slice %arg10[%dma_start3A_45, %dma_start3A_46] : memref<128x128xf32, #tpu.memory_space<vmem>> -> memref<120x128xf32, #tpu.memory_space<vmem>>
      tpu.enqueue_dma source(%dma_start3A_47 : memref<120x128xf32, #tpu.memory_space<vmem>>) target(%dma_start3A_44 : memref<120x128xf32, #tpu.memory_space<vmem_shared>>) target_semaphore(%run_scoped3A : memref<!tpu.dma_semaphore, #tpu.memory_space<semaphore_mem>>)
      %dma_wait3A = arith.constant 0 : i32
      %dma_wait3A_48 = arith.constant 0 : i32
      %dma_wait3A_49 = tpu.memref_slice %arg10[%dma_wait3A, %dma_wait3A_48] : memref<128x128xf32, #tpu.memory_space<vmem>> -> memref<120x128xf32, #tpu.memory_space<vmem>>
      %dma_wait3A_50 = arith.constant 0 : i32
      %dma_wait3A_51 = tpu.memref_slice %arg12[%add3A_18, %dma_wait3A_50] : memref<10112x128xf32, #tpu.memory_space<vmem_shared>> -> memref<120x128xf32, #tpu.memory_space<vmem_shared>>
      %dma_wait3A_52 = arith.constant 0 : i32
      %dma_wait3A_53 = tpu.memref_slice %arg12[%add3A_18, %dma_wait3A_52] : memref<10112x128xf32, #tpu.memory_space<vmem_shared>> -> memref<120x128xf32, #tpu.memory_space<vmem_shared>>
      %dma_wait3A_54 = arith.constant 0 : i32
      %dma_wait3A_55 = arith.constant 0 : i32
      %dma_wait3A_56 = tpu.memref_slice %arg10[%dma_wait3A_54, %dma_wait3A_55] : memref<128x128xf32, #tpu.memory_space<vmem>> -> memref<120x128xf32, #tpu.memory_space<vmem>>
      tpu.wait_dma2 semaphore(%run_scoped3A : memref<!tpu.dma_semaphore, #tpu.memory_space<semaphore_mem>>) src(%dma_wait3A_56 : memref<120x128xf32, #tpu.memory_space<vmem>>) dst(%dma_wait3A_53 : memref<120x128xf32, #tpu.memory_space<vmem_shared>>)
      tpu.yield
    }) : () -> ()
    %barrier3A = arith.constant 0 : index
    tpu.barrier barrier_id(%barrier3A)
    %mul3A_19 = arith.constant 10240 : i32
    %mul3A_20 = arith.muli %add3A, %mul3A_19 : i32
    "tpu.region"() ({
      %run_scoped3A = tpu.sem_alloc : memref<!tpu.dma_semaphore, #tpu.memory_space<semaphore_mem>>
      %dma_start3A_38 = tpu.memref_slice %arg3[%mul3A_20] : memref<327680xi32, #tpu.memory_space<hbm>> -> memref<128xi32, #tpu.memory_space<hbm>>
      %dma_start3A_39 = tpu.memref_slice %arg3[%mul3A_20] : memref<327680xi32, #tpu.memory_space<hbm>> -> memref<128xi32, #tpu.memory_space<hbm>>
      tpu.enqueue_dma source(%dma_start3A_39 : memref<128xi32, #tpu.memory_space<hbm>>) target(%arg6 : memref<128xi32, #tpu.memory_space<vmem>>) target_semaphore(%run_scoped3A : memref<!tpu.dma_semaphore, #tpu.memory_space<semaphore_mem>>)
      %dma_wait3A = tpu.memref_slice %arg3[%mul3A_20] : memref<327680xi32, #tpu.memory_space<hbm>> -> memref<128xi32, #tpu.memory_space<hbm>>
      %dma_wait3A_40 = tpu.memref_slice %arg3[%mul3A_20] : memref<327680xi32, #tpu.memory_space<hbm>> -> memref<128xi32, #tpu.memory_space<hbm>>
      tpu.wait_dma2 semaphore(%run_scoped3A : memref<!tpu.dma_semaphore, #tpu.memory_space<semaphore_mem>>) src(%dma_wait3A_40 : memref<128xi32, #tpu.memory_space<hbm>>) dst(%arg6 : memref<128xi32, #tpu.memory_space<vmem>>)
      tpu.yield
    }) : () -> ()
    "tpu.region"() ({
      %run_scoped3A = tpu.sem_alloc : memref<!tpu.dma_semaphore, #tpu.memory_space<semaphore_mem>>
      %dma_start3A_38 = tpu.memref_slice %arg4[%mul3A_20] : memref<327680xi32, #tpu.memory_space<hbm>> -> memref<128xi32, #tpu.memory_space<hbm>>
      %dma_start3A_39 = tpu.memref_slice %arg4[%mul3A_20] : memref<327680xi32, #tpu.memory_space<hbm>> -> memref<128xi32, #tpu.memory_space<hbm>>
      tpu.enqueue_dma source(%dma_start3A_39 : memref<128xi32, #tpu.memory_space<hbm>>) target(%arg7 : memref<128xi32, #tpu.memory_space<vmem>>) target_semaphore(%run_scoped3A : memref<!tpu.dma_semaphore, #tpu.memory_space<semaphore_mem>>)
      %dma_wait3A = tpu.memref_slice %arg4[%mul3A_20] : memref<327680xi32, #tpu.memory_space<hbm>> -> memref<128xi32, #tpu.memory_space<hbm>>
      %dma_wait3A_40 = tpu.memref_slice %arg4[%mul3A_20] : memref<327680xi32, #tpu.memory_space<hbm>> -> memref<128xi32, #tpu.memory_space<hbm>>
      tpu.wait_dma2 semaphore(%run_scoped3A : memref<!tpu.dma_semaphore, #tpu.memory_space<semaphore_mem>>) src(%dma_wait3A_40 : memref<128xi32, #tpu.memory_space<hbm>>) dst(%arg7 : memref<128xi32, #tpu.memory_space<vmem>>)
      tpu.yield
    }) : () -> ()
    %dma_start3A = arith.constant 0 : i32
    %dma_start3A_21 = arith.constant 0 : i32
    %dma_start3A_22 = tpu.memref_slice %arg2[%dma_start3A, %dma_start3A_21] : memref<10112x128xf32, #tpu.memory_space<hbm>> -> memref<10112x128xf32, #tpu.memory_space<hbm>>
    tpu.enqueue_indirect_dma source(%dma_start3A_22 : memref<10112x128xf32, #tpu.memory_space<hbm>>) target(%arg10 : memref<128x128xf32, #tpu.memory_space<vmem>>) offsets(%arg6 : memref<128xi32, #tpu.memory_space<vmem>>) semaphore(%arg13 : memref<!tpu.dma_semaphore, #tpu.memory_space<semaphore_mem>>)
    %scan3A_23 = arith.constant 0 : i32
    %scan3A_24 = arith.constant 0 : i32
    %scan3A_25 = arith.constant 40 : i32
    %scan3A_26 = arith.addi %scan3A_24, %scan3A_25 : i32
    %scan3A_27 = arith.constant 1 : i32
    %scan3A_28 = scf.for %scan3A_38 = %scan3A_24 to %scan3A_26 step %scan3A_27 iter_args(%scan3A_39 = %scan3A_23) -> (i32)  : i32 {
      %mul3A_40 = arith.constant 2 : i32
      %mul3A_41 = arith.muli %mul3A_40, %scan3A_38 : i32
      %add3A_42 = arith.constant 0 : i32
      %add3A_43 = arith.addi %mul3A_41, %add3A_42 : i32
      %dma_wait3A = arith.constant 0 : i32
      %dma_wait3A_44 = arith.constant 0 : i32
      %dma_wait3A_45 = tpu.memref_slice %arg2[%dma_wait3A, %dma_wait3A_44] : memref<10112x128xf32, #tpu.memory_space<hbm>> -> memref<10112x128xf32, #tpu.memory_space<hbm>>
      tpu.wait_indirect_dma semaphore(%arg13 : memref<!tpu.dma_semaphore, #tpu.memory_space<semaphore_mem>>) src(%dma_wait3A_45 : memref<10112x128xf32, #tpu.memory_space<hbm>>) dst(%arg10 : memref<128x128xf32, #tpu.memory_space<vmem>>)
      %add3A_46 = arith.constant 1 : i32
      %add3A_47 = arith.addi %add3A_43, %add3A_46 : i32
      %mul3A_48 = arith.constant 128 : i32
      %mul3A_49 = arith.muli %add3A_47, %mul3A_48 : i32
      %add3A_50 = arith.addi %mul3A_20, %mul3A_49 : i32
      "tpu.region"() ({
        %run_scoped3A = tpu.sem_alloc : memref<!tpu.dma_semaphore, #tpu.memory_space<semaphore_mem>>
        %dma_start3A_64 = tpu.memref_slice %arg3[%add3A_50] : memref<327680xi32, #tpu.memory_space<hbm>> -> memref<128xi32, #tpu.memory_space<hbm>>
        %dma_start3A_65 = tpu.memref_slice %arg3[%add3A_50] : memref<327680xi32, #tpu.memory_space<hbm>> -> memref<128xi32, #tpu.memory_space<hbm>>
        tpu.enqueue_dma source(%dma_start3A_65 : memref<128xi32, #tpu.memory_space<hbm>>) target(%arg8 : memref<128xi32, #tpu.memory_space<vmem>>) target_semaphore(%run_scoped3A : memref<!tpu.dma_semaphore, #tpu.memory_space<semaphore_mem>>)
        %dma_wait3A_66 = tpu.memref_slice %arg3[%add3A_50] : memref<327680xi32, #tpu.memory_space<hbm>> -> memref<128xi32, #tpu.memory_space<hbm>>
        %dma_wait3A_67 = tpu.memref_slice %arg3[%add3A_50] : memref<327680xi32, #tpu.memory_space<hbm>> -> memref<128xi32, #tpu.memory_space<hbm>>
        tpu.wait_dma2 semaphore(%run_scoped3A : memref<!tpu.dma_semaphore, #tpu.memory_space<semaphore_mem>>) src(%dma_wait3A_67 : memref<128xi32, #tpu.memory_space<hbm>>) dst(%arg8 : memref<128xi32, #tpu.memory_space<vmem>>)
        tpu.yield
      }) : () -> ()
      "tpu.region"() ({
        %run_scoped3A = tpu.sem_alloc : memref<!tpu.dma_semaphore, #tpu.memory_space<semaphore_mem>>
        %dma_start3A_64 = tpu.memref_slice %arg4[%add3A_50] : memref<327680xi32, #tpu.memory_space<hbm>> -> memref<128xi32, #tpu.memory_space<hbm>>
        %dma_start3A_65 = tpu.memref_slice %arg4[%add3A_50] : memref<327680xi32, #tpu.memory_space<hbm>> -> memref<128xi32, #tpu.memory_space<hbm>>
        tpu.enqueue_dma source(%dma_start3A_65 : memref<128xi32, #tpu.memory_space<hbm>>) target(%arg9 : memref<128xi32, #tpu.memory_space<vmem>>) target_semaphore(%run_scoped3A : memref<!tpu.dma_semaphore, #tpu.memory_space<semaphore_mem>>)
        %dma_wait3A_66 = tpu.memref_slice %arg4[%add3A_50] : memref<327680xi32, #tpu.memory_space<hbm>> -> memref<128xi32, #tpu.memory_space<hbm>>
        %dma_wait3A_67 = tpu.memref_slice %arg4[%add3A_50] : memref<327680xi32, #tpu.memory_space<hbm>> -> memref<128xi32, #tpu.memory_space<hbm>>
        tpu.wait_dma2 semaphore(%run_scoped3A : memref<!tpu.dma_semaphore, #tpu.memory_space<semaphore_mem>>) src(%dma_wait3A_67 : memref<128xi32, #tpu.memory_space<hbm>>) dst(%arg9 : memref<128xi32, #tpu.memory_space<vmem>>)
        tpu.yield
      }) : () -> ()
      %dma_start3A_51 = arith.constant 0 : i32
      %dma_start3A_52 = arith.constant 0 : i32
      %dma_start3A_53 = tpu.memref_slice %arg2[%dma_start3A_51, %dma_start3A_52] : memref<10112x128xf32, #tpu.memory_space<hbm>> -> memref<10112x128xf32, #tpu.memory_space<hbm>>
      tpu.enqueue_indirect_dma source(%dma_start3A_53 : memref<10112x128xf32, #tpu.memory_space<hbm>>) target(%arg11 : memref<128x128xf32, #tpu.memory_space<vmem>>) offsets(%arg8 : memref<128xi32, #tpu.memory_space<vmem>>) semaphore(%arg14 : memref<!tpu.dma_semaphore, #tpu.memory_space<semaphore_mem>>)
      "tpu.region"() ({
        %run_scoped3A = tpu.sem_alloc : memref<!tpu.dma_semaphore, #tpu.memory_space<semaphore_mem>>
        %dma_start3A_64 = arith.constant 0 : i32
        %dma_start3A_65 = arith.constant 0 : i32
        %dma_start3A_66 = tpu.memref_slice %arg12[%dma_start3A_64, %dma_start3A_65] : memref<10112x128xf32, #tpu.memory_space<vmem_shared>> -> memref<10112x128xf32, #tpu.memory_space<vmem_shared>>
        tpu.enqueue_indirect_dma source(%arg10 : memref<128x128xf32, #tpu.memory_space<vmem>>) target(%dma_start3A_66 : memref<10112x128xf32, #tpu.memory_space<vmem_shared>>) offsets(%arg7 : memref<128xi32, #tpu.memory_space<vmem>>) semaphore(%run_scoped3A : memref<!tpu.dma_semaphore, #tpu.memory_space<semaphore_mem>>) {add = true}
        %dma_wait3A_67 = arith.constant 0 : i32
        %dma_wait3A_68 = arith.constant 0 : i32
        %dma_wait3A_69 = tpu.memref_slice %arg12[%dma_wait3A_67, %dma_wait3A_68] : memref<10112x128xf32, #tpu.memory_space<vmem_shared>> -> memref<10112x128xf32, #tpu.memory_space<vmem_shared>>
        tpu.wait_indirect_dma semaphore(%run_scoped3A : memref<!tpu.dma_semaphore, #tpu.memory_space<semaphore_mem>>) src(%arg10 : memref<128x128xf32, #tpu.memory_space<vmem>>) dst(%dma_wait3A_69 : memref<10112x128xf32, #tpu.memory_space<vmem_shared>>)
        tpu.yield
      }) : () -> ()
      %mul3A_54 = arith.constant 2 : i32
      %mul3A_55 = arith.muli %mul3A_54, %scan3A_38 : i32
      %add3A_56 = arith.constant 1 : i32
      %add3A_57 = arith.addi %mul3A_55, %add3A_56 : i32
      %dma_wait3A_58 = arith.constant 0 : i32
      %dma_wait3A_59 = arith.constant 0 : i32
      %dma_wait3A_60 = tpu.memref_slice %arg2[%dma_wait3A_58, %dma_wait3A_59] : memref<10112x128xf32, #tpu.memory_space<hbm>> -> memref<10112x128xf32, #tpu.memory_space<hbm>>
      tpu.wait_indirect_dma semaphore(%arg14 : memref<!tpu.dma_semaphore, #tpu.memory_space<semaphore_mem>>) src(%dma_wait3A_60 : memref<10112x128xf32, #tpu.memory_space<hbm>>) dst(%arg11 : memref<128x128xf32, #tpu.memory_space<vmem>>)
      %lt3A = arith.constant 39 : i32
      %lt3A_61 = arith.cmpi slt, %scan3A_38, %lt3A : i32
      %convert_element_type3A = arith.extui %lt3A_61 : i1 to i32
      %cond3A = arith.constant 0 : i32
      %cond3A_62 = arith.cmpi ne, %convert_element_type3A, %cond3A : i32
      scf.if %cond3A_62 {
        %add3A_64 = arith.constant 1 : i32
        %add3A_65 = arith.addi %add3A_57, %add3A_64 : i32
        %mul3A_66 = arith.constant 128 : i32
        %mul3A_67 = arith.muli %add3A_65, %mul3A_66 : i32
        %add3A_68 = arith.addi %mul3A_20, %mul3A_67 : i32
        "tpu.region"() ({
          %run_scoped3A = tpu.sem_alloc : memref<!tpu.dma_semaphore, #tpu.memory_space<semaphore_mem>>
          %dma_start3A_72 = tpu.memref_slice %arg3[%add3A_68] : memref<327680xi32, #tpu.memory_space<hbm>> -> memref<128xi32, #tpu.memory_space<hbm>>
          %dma_start3A_73 = tpu.memref_slice %arg3[%add3A_68] : memref<327680xi32, #tpu.memory_space<hbm>> -> memref<128xi32, #tpu.memory_space<hbm>>
          tpu.enqueue_dma source(%dma_start3A_73 : memref<128xi32, #tpu.memory_space<hbm>>) target(%arg6 : memref<128xi32, #tpu.memory_space<vmem>>) target_semaphore(%run_scoped3A : memref<!tpu.dma_semaphore, #tpu.memory_space<semaphore_mem>>)
          %dma_wait3A_74 = tpu.memref_slice %arg3[%add3A_68] : memref<327680xi32, #tpu.memory_space<hbm>> -> memref<128xi32, #tpu.memory_space<hbm>>
          %dma_wait3A_75 = tpu.memref_slice %arg3[%add3A_68] : memref<327680xi32, #tpu.memory_space<hbm>> -> memref<128xi32, #tpu.memory_space<hbm>>
          tpu.wait_dma2 semaphore(%run_scoped3A : memref<!tpu.dma_semaphore, #tpu.memory_space<semaphore_mem>>) src(%dma_wait3A_75 : memref<128xi32, #tpu.memory_space<hbm>>) dst(%arg6 : memref<128xi32, #tpu.memory_space<vmem>>)
          tpu.yield
        }) : () -> ()
        "tpu.region"() ({
          %run_scoped3A = tpu.sem_alloc : memref<!tpu.dma_semaphore, #tpu.memory_space<semaphore_mem>>
          %dma_start3A_72 = tpu.memref_slice %arg4[%add3A_68] : memref<327680xi32, #tpu.memory_space<hbm>> -> memref<128xi32, #tpu.memory_space<hbm>>
          %dma_start3A_73 = tpu.memref_slice %arg4[%add3A_68] : memref<327680xi32, #tpu.memory_space<hbm>> -> memref<128xi32, #tpu.memory_space<hbm>>
          tpu.enqueue_dma source(%dma_start3A_73 : memref<128xi32, #tpu.memory_space<hbm>>) target(%arg7 : memref<128xi32, #tpu.memory_space<vmem>>) target_semaphore(%run_scoped3A : memref<!tpu.dma_semaphore, #tpu.memory_space<semaphore_mem>>)
          %dma_wait3A_74 = tpu.memref_slice %arg4[%add3A_68] : memref<327680xi32, #tpu.memory_space<hbm>> -> memref<128xi32, #tpu.memory_space<hbm>>
          %dma_wait3A_75 = tpu.memref_slice %arg4[%add3A_68] : memref<327680xi32, #tpu.memory_space<hbm>> -> memref<128xi32, #tpu.memory_space<hbm>>
          tpu.wait_dma2 semaphore(%run_scoped3A : memref<!tpu.dma_semaphore, #tpu.memory_space<semaphore_mem>>) src(%dma_wait3A_75 : memref<128xi32, #tpu.memory_space<hbm>>) dst(%arg7 : memref<128xi32, #tpu.memory_space<vmem>>)
          tpu.yield
        }) : () -> ()
        %dma_start3A_69 = arith.constant 0 : i32
        %dma_start3A_70 = arith.constant 0 : i32
        %dma_start3A_71 = tpu.memref_slice %arg2[%dma_start3A_69, %dma_start3A_70] : memref<10112x128xf32, #tpu.memory_space<hbm>> -> memref<10112x128xf32, #tpu.memory_space<hbm>>
        tpu.enqueue_indirect_dma source(%dma_start3A_71 : memref<10112x128xf32, #tpu.memory_space<hbm>>) target(%arg10 : memref<128x128xf32, #tpu.memory_space<vmem>>) offsets(%arg6 : memref<128xi32, #tpu.memory_space<vmem>>) semaphore(%arg13 : memref<!tpu.dma_semaphore, #tpu.memory_space<semaphore_mem>>)
      } else {
      }
      "tpu.region"() ({
        %run_scoped3A = tpu.sem_alloc : memref<!tpu.dma_semaphore, #tpu.memory_space<semaphore_mem>>
        %dma_start3A_64 = arith.constant 0 : i32
        %dma_start3A_65 = arith.constant 0 : i32
        %dma_start3A_66 = tpu.memref_slice %arg12[%dma_start3A_64, %dma_start3A_65] : memref<10112x128xf32, #tpu.memory_space<vmem_shared>> -> memref<10112x128xf32, #tpu.memory_space<vmem_shared>>
        tpu.enqueue_indirect_dma source(%arg11 : memref<128x128xf32, #tpu.memory_space<vmem>>) target(%dma_start3A_66 : memref<10112x128xf32, #tpu.memory_space<vmem_shared>>) offsets(%arg9 : memref<128xi32, #tpu.memory_space<vmem>>) semaphore(%run_scoped3A : memref<!tpu.dma_semaphore, #tpu.memory_space<semaphore_mem>>) {add = true}
        %dma_wait3A_67 = arith.constant 0 : i32
        %dma_wait3A_68 = arith.constant 0 : i32
        %dma_wait3A_69 = tpu.memref_slice %arg12[%dma_wait3A_67, %dma_wait3A_68] : memref<10112x128xf32, #tpu.memory_space<vmem_shared>> -> memref<10112x128xf32, #tpu.memory_space<vmem_shared>>
        tpu.wait_indirect_dma semaphore(%run_scoped3A : memref<!tpu.dma_semaphore, #tpu.memory_space<semaphore_mem>>) src(%arg11 : memref<128x128xf32, #tpu.memory_space<vmem>>) dst(%dma_wait3A_69 : memref<10112x128xf32, #tpu.memory_space<vmem_shared>>)
        tpu.yield
      }) : () -> ()
      %scan3A_63 = arith.constant 0 : i32
      scf.yield %scan3A_63 : i32
    }
    %scan3A_29 = arith.constant 40 : i32
    %barrier3A_30 = arith.constant 0 : index
    tpu.barrier barrier_id(%barrier3A_30)
    %mul3A_31 = arith.constant 632 : i32
    %mul3A_32 = arith.muli %arg1, %mul3A_31 : i32
    %mul3A_33 = arith.constant 10112 : i32
    %mul3A_34 = arith.muli %arg0, %mul3A_33 : i32
    %mul3A_35 = arith.constant 632 : i32
    %mul3A_36 = arith.muli %arg1, %mul3A_35 : i32
    %add3A_37 = arith.addi %mul3A_34, %mul3A_36 : i32
    "tpu.region"() ({
      %run_scoped3A = tpu.sem_alloc : memref<!tpu.dma_semaphore, #tpu.memory_space<semaphore_mem>>
      %dma_start3A_38 = arith.constant 0 : i32
      %dma_start3A_39 = tpu.memref_slice %arg5[%add3A_37, %dma_start3A_38] : memref<20224x128xf32, #tpu.memory_space<hbm>> -> memref<632x128xf32, #tpu.memory_space<hbm>>
      %dma_start3A_40 = arith.constant 0 : i32
      %dma_start3A_41 = tpu.memref_slice %arg12[%mul3A_32, %dma_start3A_40] : memref<10112x128xf32, #tpu.memory_space<vmem_shared>> -> memref<632x128xf32, #tpu.memory_space<vmem_shared>>
      tpu.enqueue_dma source(%dma_start3A_41 : memref<632x128xf32, #tpu.memory_space<vmem_shared>>) target(%dma_start3A_39 : memref<632x128xf32, #tpu.memory_space<hbm>>) target_semaphore(%run_scoped3A : memref<!tpu.dma_semaphore, #tpu.memory_space<semaphore_mem>>)
      %dma_wait3A = arith.constant 0 : i32
      %dma_wait3A_42 = tpu.memref_slice %arg5[%add3A_37, %dma_wait3A] : memref<20224x128xf32, #tpu.memory_space<hbm>> -> memref<632x128xf32, #tpu.memory_space<hbm>>
      %dma_wait3A_43 = arith.constant 0 : i32
      %dma_wait3A_44 = tpu.memref_slice %arg12[%mul3A_32, %dma_wait3A_43] : memref<10112x128xf32, #tpu.memory_space<vmem_shared>> -> memref<632x128xf32, #tpu.memory_space<vmem_shared>>
      tpu.wait_dma2 semaphore(%run_scoped3A : memref<!tpu.dma_semaphore, #tpu.memory_space<semaphore_mem>>) src(%dma_wait3A_44 : memref<632x128xf32, #tpu.memory_space<vmem_shared>>) dst(%dma_wait3A_42 : memref<632x128xf32, #tpu.memory_space<hbm>>)
      tpu.yield
    }) : () -> ()
    return
  }
}

module attributes {stable_mosaic.version = 14 : i64} {
  func.func @_tc_layer1_body(%arg0: memref<10112x128xf32, #tpu.memory_space<vmem>>, %arg1: memref<20224x128xf32, #tpu.memory_space<vmem>>, %arg2: memref<20224x128xf32, #tpu.memory_space<vmem>>, %arg3: memref<128x128xf32, #tpu.memory_space<vmem>>, %arg4: memref<1x128xf32, #tpu.memory_space<vmem>>, %arg5: memref<128x128xf32, #tpu.memory_space<vmem>>, %arg6: memref<1x128xf32, #tpu.memory_space<vmem>>, %arg7: memref<1x128xf32, #tpu.memory_space<vmem>>, %arg8: memref<10112x128xf32, #tpu.memory_space<vmem>>) attributes {dimension_semantics = [], scalar_prefetch = 0 : i64, scratch_operands = 0 : i64, tpu.core_type = #tpu.core_type<tc>} {
    %get3A = arith.constant 0 : index
    %get3A_0 = arith.constant 0 : index
    %get3A_1 = vector.load %arg1[%get3A, %get3A_0] : memref<20224x128xf32, #tpu.memory_space<vmem>>, vector<10112x128xf32>
    %get3A_2 = arith.constant 10112 : index
    %get3A_3 = arith.constant 0 : index
    %get3A_4 = vector.load %arg1[%get3A_2, %get3A_3] : memref<20224x128xf32, #tpu.memory_space<vmem>>, vector<10112x128xf32>
    %add3A = arith.addf %get3A_1, %get3A_4 : vector<10112x128xf32>
    %get3A_5 = arith.constant 0 : index
    %get3A_6 = arith.constant 0 : index
    %get3A_7 = vector.load %arg2[%get3A_5, %get3A_6] : memref<20224x128xf32, #tpu.memory_space<vmem>>, vector<10112x1xf32>
    %get3A_8 = arith.constant 10112 : index
    %get3A_9 = arith.constant 0 : index
    %get3A_10 = vector.load %arg2[%get3A_8, %get3A_9] : memref<20224x128xf32, #tpu.memory_space<vmem>>, vector<10112x1xf32>
    %add3A_11 = arith.addf %get3A_7, %get3A_10 : vector<10112x1xf32>
    %max3A = arith.constant 1.000000e+00 : f32
    %max3A_12 = vector.broadcast %max3A : f32 to vector<10112x1xf32>
    %max3A_13 = arith.maximumf %add3A_11, %max3A_12 : vector<10112x1xf32>
    %div3A = vector.broadcast %max3A_13 : vector<10112x1xf32> to vector<10112x128xf32>
    %div3A_14 = arith.divf %add3A, %div3A : vector<10112x128xf32>
    %get3A_15 = arith.constant 0 : index
    %get3A_16 = arith.constant 0 : index
    %get3A_17 = vector.load %arg3[%get3A_15, %get3A_16] : memref<128x128xf32, #tpu.memory_space<vmem>>, vector<128x128xf32>
    %dot_general3A = arith.constant dense<0.000000e+00> : vector<10112x128xf32>
    %dot_general3A_18 = tpu.matmul %div3A_14, %get3A_17, %dot_general3A {dimension_numbers = #tpu.dot_dimension_numbers<[1], [0], [0], [1], [0, 0, 1, 1], [], []>, transpose_lhs_hint = false} : vector<10112x128xf32>, vector<128x128xf32>, vector<10112x128xf32> -> vector<10112x128xf32>
    %get3A_19 = arith.constant 0 : index
    %get3A_20 = arith.constant 0 : index
    %get3A_21 = vector.load %arg4[%get3A_19, %get3A_20] : memref<1x128xf32, #tpu.memory_space<vmem>>, vector<1x128xf32>
    %add3A_22 = vector.broadcast %get3A_21 : vector<1x128xf32> to vector<10112x128xf32>
    %add3A_23 = arith.addf %dot_general3A_18, %add3A_22 : vector<10112x128xf32>
    %get3A_24 = arith.constant 0 : index
    %get3A_25 = arith.constant 0 : index
    %get3A_26 = vector.load %arg0[%get3A_24, %get3A_25] : memref<10112x128xf32, #tpu.memory_space<vmem>>, vector<10112x128xf32>
    %get3A_27 = arith.constant 0 : index
    %get3A_28 = arith.constant 0 : index
    %get3A_29 = vector.load %arg5[%get3A_27, %get3A_28] : memref<128x128xf32, #tpu.memory_space<vmem>>, vector<128x128xf32>
    %dot_general3A_30 = arith.constant dense<0.000000e+00> : vector<10112x128xf32>
    %dot_general3A_31 = tpu.matmul %get3A_26, %get3A_29, %dot_general3A_30 {dimension_numbers = #tpu.dot_dimension_numbers<[1], [0], [0], [1], [0, 0, 1, 1], [], []>, transpose_lhs_hint = false} : vector<10112x128xf32>, vector<128x128xf32>, vector<10112x128xf32> -> vector<10112x128xf32>
    %add3A_32 = arith.addf %add3A_23, %dot_general3A_31 : vector<10112x128xf32>
    %mul3A = arith.mulf %add3A_32, %add3A_32 : vector<10112x128xf32>
    %reduce_sum3A = arith.constant dense<0.000000e+00> : vector<10112xf32>
    %reduce_sum3A_33 = vector.multi_reduction <add>, %mul3A, %reduce_sum3A [1] : vector<10112x128xf32> to vector<10112xf32>
    %broadcast_in_dim3A = vector.shape_cast %reduce_sum3A_33 : vector<10112xf32> to vector<10112x1xf32>
    %sqrt3A = math.sqrt %broadcast_in_dim3A : vector<10112x1xf32>
    %max3A_34 = arith.constant 9.99999996E-13 : f32
    %max3A_35 = vector.broadcast %max3A_34 : f32 to vector<10112x1xf32>
    %max3A_36 = arith.maximumf %sqrt3A, %max3A_35 : vector<10112x1xf32>
    %div3A_37 = vector.broadcast %max3A_36 : vector<10112x1xf32> to vector<10112x128xf32>
    %div3A_38 = arith.divf %add3A_32, %div3A_37 : vector<10112x128xf32>
    %max3A_39 = arith.constant 0.000000e+00 : f32
    %max3A_40 = vector.broadcast %max3A_39 : f32 to vector<10112x128xf32>
    %max3A_41 = arith.maximumf %div3A_38, %max3A_40 : vector<10112x128xf32>
    %iota3A = tpu.iota {dimensions = array<i32: 0>} : vector<10112x1xi32>
    %lt3A = arith.constant 10000 : i32
    %lt3A_42 = vector.broadcast %lt3A : i32 to vector<10112x1xi32>
    %lt3A_43 = arith.cmpi slt, %iota3A, %lt3A_42 : vector<10112x1xi32>
    %jit3A = arith.constant 0.000000e+00 : f32
    %broadcast_in_dim3A_44 = vector.shape_cast %lt3A_43 : vector<10112x1xi1> to vector<10112x1xi1>
    %broadcast_in_dim3A_45 = vector.broadcast %broadcast_in_dim3A_44 : vector<10112x1xi1> to vector<10112x128xi1>
    %broadcast_in_dim3A_46 = vector.broadcast %jit3A : f32 to vector<10112x128xf32>
    %select_n3A = arith.select %broadcast_in_dim3A_45, %max3A_41, %broadcast_in_dim3A_46 : vector<10112x128xi1>, vector<10112x128xf32>
    %reduce_sum3A_47 = arith.constant dense<0.000000e+00> : vector<128xf32>
    %reduce_sum3A_48 = vector.multi_reduction <add>, %select_n3A, %reduce_sum3A_47 [0] : vector<10112x128xf32> to vector<128xf32>
    %broadcast_in_dim3A_49 = vector.shape_cast %reduce_sum3A_48 : vector<128xf32> to vector<1x128xf32>
    %mul3A_50 = arith.constant 9.99999974E-5 : f32
    %mul3A_51 = vector.broadcast %mul3A_50 : f32 to vector<1x128xf32>
    %mul3A_52 = arith.mulf %broadcast_in_dim3A_49, %mul3A_51 : vector<1x128xf32>
    %sub3A = vector.broadcast %mul3A_52 : vector<1x128xf32> to vector<10112x128xf32>
    %sub3A_53 = arith.subf %select_n3A, %sub3A : vector<10112x128xf32>
    %jit3A_54 = arith.constant 0.000000e+00 : f32
    %broadcast_in_dim3A_55 = vector.shape_cast %lt3A_43 : vector<10112x1xi1> to vector<10112x1xi1>
    %broadcast_in_dim3A_56 = vector.broadcast %broadcast_in_dim3A_55 : vector<10112x1xi1> to vector<10112x128xi1>
    %broadcast_in_dim3A_57 = vector.broadcast %jit3A_54 : f32 to vector<10112x128xf32>
    %select_n3A_58 = arith.select %broadcast_in_dim3A_56, %sub3A_53, %broadcast_in_dim3A_57 : vector<10112x128xi1>, vector<10112x128xf32>
    %mul3A_59 = arith.mulf %select_n3A_58, %select_n3A_58 : vector<10112x128xf32>
    %reduce_sum3A_60 = arith.constant dense<0.000000e+00> : vector<128xf32>
    %reduce_sum3A_61 = vector.multi_reduction <add>, %mul3A_59, %reduce_sum3A_60 [0] : vector<10112x128xf32> to vector<128xf32>
    %broadcast_in_dim3A_62 = vector.shape_cast %reduce_sum3A_61 : vector<128xf32> to vector<1x128xf32>
    %mul3A_63 = arith.constant 9.99999974E-5 : f32
    %mul3A_64 = vector.broadcast %mul3A_63 : f32 to vector<1x128xf32>
    %mul3A_65 = arith.mulf %broadcast_in_dim3A_62, %mul3A_64 : vector<1x128xf32>
    %sub3A_66 = vector.broadcast %mul3A_52 : vector<1x128xf32> to vector<10112x128xf32>
    %sub3A_67 = arith.subf %select_n3A, %sub3A_66 : vector<10112x128xf32>
    %add3A_68 = arith.constant 9.99999974E-6 : f32
    %add3A_69 = vector.broadcast %add3A_68 : f32 to vector<1x128xf32>
    %add3A_70 = arith.addf %mul3A_65, %add3A_69 : vector<1x128xf32>
    %sqrt3A_71 = math.sqrt %add3A_70 : vector<1x128xf32>
    %div3A_72 = vector.broadcast %sqrt3A_71 : vector<1x128xf32> to vector<10112x128xf32>
    %div3A_73 = arith.divf %sub3A_67, %div3A_72 : vector<10112x128xf32>
    %get3A_74 = arith.constant 0 : index
    %get3A_75 = arith.constant 0 : index
    %get3A_76 = vector.load %arg6[%get3A_74, %get3A_75] : memref<1x128xf32, #tpu.memory_space<vmem>>, vector<1x128xf32>
    %mul3A_77 = vector.broadcast %get3A_76 : vector<1x128xf32> to vector<10112x128xf32>
    %mul3A_78 = arith.mulf %div3A_73, %mul3A_77 : vector<10112x128xf32>
    %get3A_79 = arith.constant 0 : index
    %get3A_80 = arith.constant 0 : index
    %get3A_81 = vector.load %arg7[%get3A_79, %get3A_80] : memref<1x128xf32, #tpu.memory_space<vmem>>, vector<1x128xf32>
    %add3A_82 = vector.broadcast %get3A_81 : vector<1x128xf32> to vector<10112x128xf32>
    %add3A_83 = arith.addf %mul3A_78, %add3A_82 : vector<10112x128xf32>
    %jit3A_84 = arith.constant 0.000000e+00 : f32
    %broadcast_in_dim3A_85 = vector.shape_cast %lt3A_43 : vector<10112x1xi1> to vector<10112x1xi1>
    %broadcast_in_dim3A_86 = vector.broadcast %broadcast_in_dim3A_85 : vector<10112x1xi1> to vector<10112x128xi1>
    %broadcast_in_dim3A_87 = vector.broadcast %jit3A_84 : f32 to vector<10112x128xf32>
    %select_n3A_88 = arith.select %broadcast_in_dim3A_86, %add3A_83, %broadcast_in_dim3A_87 : vector<10112x128xi1>, vector<10112x128xf32>
    %swap3A = arith.constant 0 : index
    %swap3A_89 = arith.constant 0 : index
    %swap3A_90 = vector.load %arg8[%swap3A, %swap3A_89] : memref<10112x128xf32, #tpu.memory_space<vmem>>, vector<10112x128xf32>
    tpu.vector_store %arg8[%swap3A, %swap3A_89], %select_n3A_88 {strides = array<i32>} : memref<10112x128xf32, #tpu.memory_space<vmem>>, vector<10112x128xf32>,
    return
  }
}

module attributes {stable_mosaic.version = 14 : i64} {
  func.func @_tc_layer2_body(%arg0: memref<10112x128xf32, #tpu.memory_space<vmem>>, %arg1: memref<20224x128xf32, #tpu.memory_space<vmem>>, %arg2: memref<20224x128xf32, #tpu.memory_space<vmem>>, %arg3: memref<128x128xf32, #tpu.memory_space<vmem>>, %arg4: memref<1x128xf32, #tpu.memory_space<vmem>>, %arg5: memref<128x128xf32, #tpu.memory_space<vmem>>, %arg6: memref<128x40xf32, #tpu.memory_space<vmem>>, %arg7: memref<1x40xf32, #tpu.memory_space<vmem>>, %arg8: memref<10112x40xf32, #tpu.memory_space<vmem>>) attributes {dimension_semantics = [], scalar_prefetch = 0 : i64, scratch_operands = 0 : i64, tpu.core_type = #tpu.core_type<tc>} {
    %get3A = arith.constant 0 : index
    %get3A_0 = arith.constant 0 : index
    %get3A_1 = vector.load %arg1[%get3A, %get3A_0] : memref<20224x128xf32, #tpu.memory_space<vmem>>, vector<10112x128xf32>
    %get3A_2 = arith.constant 10112 : index
    %get3A_3 = arith.constant 0 : index
    %get3A_4 = vector.load %arg1[%get3A_2, %get3A_3] : memref<20224x128xf32, #tpu.memory_space<vmem>>, vector<10112x128xf32>
    %add3A = arith.addf %get3A_1, %get3A_4 : vector<10112x128xf32>
    %get3A_5 = arith.constant 0 : index
    %get3A_6 = arith.constant 0 : index
    %get3A_7 = vector.load %arg2[%get3A_5, %get3A_6] : memref<20224x128xf32, #tpu.memory_space<vmem>>, vector<10112x1xf32>
    %get3A_8 = arith.constant 10112 : index
    %get3A_9 = arith.constant 0 : index
    %get3A_10 = vector.load %arg2[%get3A_8, %get3A_9] : memref<20224x128xf32, #tpu.memory_space<vmem>>, vector<10112x1xf32>
    %add3A_11 = arith.addf %get3A_7, %get3A_10 : vector<10112x1xf32>
    %max3A = arith.constant 1.000000e+00 : f32
    %max3A_12 = vector.broadcast %max3A : f32 to vector<10112x1xf32>
    %max3A_13 = arith.maximumf %add3A_11, %max3A_12 : vector<10112x1xf32>
    %div3A = vector.broadcast %max3A_13 : vector<10112x1xf32> to vector<10112x128xf32>
    %div3A_14 = arith.divf %add3A, %div3A : vector<10112x128xf32>
    %get3A_15 = arith.constant 0 : index
    %get3A_16 = arith.constant 0 : index
    %get3A_17 = vector.load %arg3[%get3A_15, %get3A_16] : memref<128x128xf32, #tpu.memory_space<vmem>>, vector<128x128xf32>
    %dot_general3A = arith.constant dense<0.000000e+00> : vector<10112x128xf32>
    %dot_general3A_18 = tpu.matmul %div3A_14, %get3A_17, %dot_general3A {dimension_numbers = #tpu.dot_dimension_numbers<[1], [0], [0], [1], [0, 0, 1, 1], [], []>, transpose_lhs_hint = false} : vector<10112x128xf32>, vector<128x128xf32>, vector<10112x128xf32> -> vector<10112x128xf32>
    %get3A_19 = arith.constant 0 : index
    %get3A_20 = arith.constant 0 : index
    %get3A_21 = vector.load %arg4[%get3A_19, %get3A_20] : memref<1x128xf32, #tpu.memory_space<vmem>>, vector<1x128xf32>
    %add3A_22 = vector.broadcast %get3A_21 : vector<1x128xf32> to vector<10112x128xf32>
    %add3A_23 = arith.addf %dot_general3A_18, %add3A_22 : vector<10112x128xf32>
    %get3A_24 = arith.constant 0 : index
    %get3A_25 = arith.constant 0 : index
    %get3A_26 = vector.load %arg0[%get3A_24, %get3A_25] : memref<10112x128xf32, #tpu.memory_space<vmem>>, vector<10112x128xf32>
    %get3A_27 = arith.constant 0 : index
    %get3A_28 = arith.constant 0 : index
    %get3A_29 = vector.load %arg5[%get3A_27, %get3A_28] : memref<128x128xf32, #tpu.memory_space<vmem>>, vector<128x128xf32>
    %dot_general3A_30 = arith.constant dense<0.000000e+00> : vector<10112x128xf32>
    %dot_general3A_31 = tpu.matmul %get3A_26, %get3A_29, %dot_general3A_30 {dimension_numbers = #tpu.dot_dimension_numbers<[1], [0], [0], [1], [0, 0, 1, 1], [], []>, transpose_lhs_hint = false} : vector<10112x128xf32>, vector<128x128xf32>, vector<10112x128xf32> -> vector<10112x128xf32>
    %add3A_32 = arith.addf %add3A_23, %dot_general3A_31 : vector<10112x128xf32>
    %mul3A = arith.mulf %add3A_32, %add3A_32 : vector<10112x128xf32>
    %reduce_sum3A = arith.constant dense<0.000000e+00> : vector<10112xf32>
    %reduce_sum3A_33 = vector.multi_reduction <add>, %mul3A, %reduce_sum3A [1] : vector<10112x128xf32> to vector<10112xf32>
    %broadcast_in_dim3A = vector.shape_cast %reduce_sum3A_33 : vector<10112xf32> to vector<10112x1xf32>
    %sqrt3A = math.sqrt %broadcast_in_dim3A : vector<10112x1xf32>
    %max3A_34 = arith.constant 9.99999996E-13 : f32
    %max3A_35 = vector.broadcast %max3A_34 : f32 to vector<10112x1xf32>
    %max3A_36 = arith.maximumf %sqrt3A, %max3A_35 : vector<10112x1xf32>
    %div3A_37 = vector.broadcast %max3A_36 : vector<10112x1xf32> to vector<10112x128xf32>
    %div3A_38 = arith.divf %add3A_32, %div3A_37 : vector<10112x128xf32>
    %get3A_39 = arith.constant 0 : index
    %get3A_40 = arith.constant 0 : index
    %get3A_41 = vector.load %arg6[%get3A_39, %get3A_40] : memref<128x40xf32, #tpu.memory_space<vmem>>, vector<128x40xf32>
    %dot_general3A_42 = arith.constant dense<0.000000e+00> : vector<10112x40xf32>
    %dot_general3A_43 = tpu.matmul %div3A_38, %get3A_41, %dot_general3A_42 {dimension_numbers = #tpu.dot_dimension_numbers<[1], [0], [0], [1], [0, 0, 1, 1], [], []>, transpose_lhs_hint = false} : vector<10112x128xf32>, vector<128x40xf32>, vector<10112x40xf32> -> vector<10112x40xf32>
    %get3A_44 = arith.constant 0 : index
    %get3A_45 = arith.constant 0 : index
    %get3A_46 = vector.load %arg7[%get3A_44, %get3A_45] : memref<1x40xf32, #tpu.memory_space<vmem>>, vector<1x40xf32>
    %add3A_47 = vector.broadcast %get3A_46 : vector<1x40xf32> to vector<10112x40xf32>
    %add3A_48 = arith.addf %dot_general3A_43, %add3A_47 : vector<10112x40xf32>
    %swap3A = arith.constant 0 : index
    %swap3A_49 = arith.constant 0 : index
    %swap3A_50 = vector.load %arg8[%swap3A, %swap3A_49] : memref<10112x40xf32, #tpu.memory_space<vmem>>, vector<10112x40xf32>
    tpu.vector_store %arg8[%swap3A, %swap3A_49], %add3A_48 {strides = array<i32>} : memref<10112x40xf32, #tpu.memory_space<vmem>>, vector<10112x40xf32>,
    return
  }
}

</mosaic_0001>

<sc_bundles>
// kernel: kernel.10.cloned.1.call-start
scs
__scs_entry_jumppad:
0x0: {  	(pc) =	sbr.rel $0x88, $3  }
0x1: {  	(tag) =	ssettag $0x0;
	lr =	simm.s32 $0x1  }
0x2: {  	[smem:$0x3F95] =	sst lr;
	_ =	strace $0xD0000000  }
0x3: {  	_ = 	snop  }
0x4: {  	_ = 	snop  }
0x5: {  	_ = 	snop  }
0x6: {  	_ = 	snop  }
0x7: {  	_ = 	snop  }
__scs_overlays_trampoline_lowered:
0x8: {  	[smem:$0x3FA4] =	sst s0  }
0x9: {  	[smem:$0x3FA5] =	sst s1  }
0xa: {  	[smem:$0x3FA6] =	sst s2  }
0xb: {  	[smem:$0x3FA7] =	sst s3  }
0xc: {  	[smem:$0x3FA8] =	sst s4  }
0xd: {  	[smem:$0x3FA9] =	sst s5  }
0xe: {  	[smem:$0x3FAA] =	sst s6  }
0xf: {  	[smem:$0x3FAB] =	sst s7  }
0x10: {  	[smem:$0x3FAC] =	sst s8  }
0x11: {  	[smem:$0x3FAD] =	sst s9;
	s0 =	simm.s32 @!p0 $0x0  }
0x12: {  	s1 =	sld [smem:$0x3F93];
	s0 =	simm.s32 @p0 $0x1  }
0x13: {  	[smem:$0x3FAE] =	sst s0;
	s0 =	simm.s32 @!p1 $0x0  }
0x14: {  	s2 =	sld [smem:$0x3F92];
	s0 =	simm.s32 @p1 $0x1  }
0x15: {  	[smem:$0x3FAF] =	sst s0;
	s0 =	simm.s32 @!p2 $0x0  }
0x16: {  	s3 =	sld [smem:$0x3FDB];
	s0 =	simm.s32 @p2 $0x1  }
0x17: {  	s4 =	simm.s32 $0x1BF5;
	[smem:$0x3FB1] =	sst s0  }
0x18: {  	s0 =	sld [smem:$0x3F94];
	_ =	swait.ge [sflag:s4], $0x0  }
0x19: {  	s7 =	sld [smem:$0x3F95]  }
0x1a: {  	s8 =	sadd.s32 $0xFFFFE003, lr  }
0x1b: {  	s9 =	sadd.s32 $0xFFFFFEF7, lr;
	s5 =	simm.s32 $0xFFFFFFFF;
	p2 =	slt.u32 s8, $0xFFFFF086  }
0x1c: {  	p1 =	slt.u32 s9, $0xF7A;
	s5 =	simm.s32 @!p2 $0x0  }
0x1d: {  	s5 =	simm.s32 @p1 $0x1;
	p0 =	seq.s32 s7, s2  }
0x1e: {  	s7 =	smul.u32 @!p0 $0xF7A, s2;
	p2 =	seq.s32 @!p0 s5, $0x0  }
0x1f: {  	s9 =	smul.u32 $0xF7A, s1;
	s8 =	simm.s32 @!p0 $0x1BF5;
	p2 =	por !p2, p0  }
0x20: {  	[sflag:s8] =	ssyncset.s32 @!p0 $0xFFFFF086;
	s6 =	sadd.s32 @!p0 s3, s7;
	s7 =	simm.s32 @!p0 $0x108  }
0x21: {  	s3 =	sadd.s32 s3, s9;
	s6 =	sadd.s32 @!p0 $0x88, s6;
	s7 =	simm.s32 @p2 $0x1082  }
0x22: {  	[simem:s7], [sflag:s8] =	dma.local @!p0 [hbm:s6], $0xF7A  }
0x23: {  	s9 =	sor.u32 $0xD0000000, s2;
	s6 =	simm.s32 $0x108;
	_ =	swait.ge @!p0 [sflag:s8], $0x0  }
0x24: {  	s3 =	sadd.s32 $0x88, s3;
	s6 =	simm.s32 @!p1 $0x1082;
	[sflag:s4] =	ssyncset.s32 $0xFFFFF086  }
0x25: {  	[simem:s6], [sflag:s4] =	dma.local [hbm:s3], $0xF7A  }
0x26: {  	[smem:$0x3F95] =	sst s1;
	(tag) =	ssettag s2;
	_ =	strace s9  }
0x27: {  	s1 =	sld [smem:$0x3FA5]  }
0x28: {  	s2 =	sld [smem:$0x3FA6]  }
0x29: {  	s4 =	sld [smem:$0x3FA8]  }
0x2a: {  	p0 =	seq.s32 s5, $0x0;
	s5 =	sld [smem:$0x3FA9]  }
0x2b: {  	s6 =	sld [smem:$0x3FAA]  }
0x2c: {  	s7 =	sld [smem:$0x3FAB]  }
0x2d: {  	s3 =	simm.s32 $0x108;
	s8 =	sld [smem:$0x3FAC]  }
0x2e: {  	s3 =	simm.s32 @!p0 $0x1082;
	s9 =	sld [smem:$0x3FAD]  }
0x2f: {  	lr =	sadd.s32 s0, s3;
	s0 =	sld [smem:$0x3FA4]  }
0x30: {  	s3 =	sld [smem:$0x3FA7]  }
0x31: {  	[smem:$0x3FB0] =	sst s10  }
0x32: {  	s10 =	sld [smem:$0x3FAE];
	_ =	sdelay $0x3  }
0x33: {  	p0 =	seq.s32 s10, $0x1;
	s10 =	sld [smem:$0x3FB0];
	_ =	sdelay $0x3  }
0x34: {  	[smem:$0x3FB0] =	sst s10  }
0x35: {  	s10 =	sld [smem:$0x3FAF];
	_ =	sdelay $0x3  }
0x36: {  	p1 =	seq.s32 s10, $0x1;
	s10 =	sld [smem:$0x3FB0];
	_ =	sdelay $0x3  }
0x37: {  	[smem:$0x3FB0] =	sst s10  }
0x38: {  	s10 =	sld [smem:$0x3FB1]  }
0x39: {  	_ = 	snop;
	(pc) =	sbr.ind lr, $3  }
0x3a: {  	_ = 	snop  }
0x3b: {  	_ = 	snop  }
0x3c: {  	p2 =	seq.s32 s10, $0x1;
	s10 =	sld [smem:$0x3FB0]  }
0x3d: {  	_ =	shalt  }
0x3e: {  	_ =	shalt  }
0x3f: {  	_ =	shalt  }
0x40: {  	_ =	shalt  }
0x41: {  	_ =	shalt  }
0x42: {  	_ =	shalt  }
0x43: {  	_ =	shalt  }
0x44: {  	_ =	shalt  }
0x45: {  	_ =	shalt  }
0x46: {  	_ =	shalt  }
0x47: {  	_ =	shalt  }
0x48: {  	_ =	shalt  }
0x49: {  	_ =	shalt  }
0x4a: {  	_ =	shalt  }
0x4b: {  	_ =	shalt  }
0x4c: {  	_ =	shalt  }
0x4d: {  	_ =	shalt  }
0x4e: {  	_ =	shalt  }
0x4f: {  	_ =	shalt  }
0x50: {  	_ =	shalt  }
0x51: {  	_ =	shalt  }
0x52: {  	_ =	shalt  }
0x53: {  	_ =	shalt  }
0x54: {  	_ =	shalt  }
0x55: {  	_ =	shalt  }
0x56: {  	_ =	shalt  }
0x57: {  	_ =	shalt  }
0x58: {  	_ =	shalt  }
0x59: {  	_ =	shalt  }
0x5a: {  	_ =	shalt  }
0x5b: {  	_ =	shalt  }
0x5c: {  	_ =	shalt  }
0x5d: {  	_ =	shalt  }
0x5e: {  	_ =	shalt  }
0x5f: {  	_ =	shalt  }
0x60: {  	_ =	shalt  }
0x61: {  	_ =	shalt  }
0x62: {  	_ =	shalt  }
0x63: {  	_ =	shalt  }
0x64: {  	_ =	shalt  }
0x65: {  	_ =	shalt  }
0x66: {  	_ =	shalt  }
0x67: {  	_ =	shalt  }
0x68: {  	_ =	shalt  }
0x69: {  	_ =	shalt  }
0x6a: {  	_ =	shalt  }
0x6b: {  	_ =	shalt  }
0x6c: {  	_ =	shalt  }
0x6d: {  	_ =	shalt  }
0x6e: {  	_ =	shalt  }
0x6f: {  	_ =	shalt  }
0x70: {  	_ =	shalt  }
0x71: {  	_ =	shalt  }
0x72: {  	_ =	shalt  }
0x73: {  	_ =	shalt  }
0x74: {  	_ =	shalt  }
0x75: {  	_ =	shalt  }
0x76: {  	_ =	shalt  }
0x77: {  	_ =	shalt  }
0x78: {  	_ =	shalt  }
0x79: {  	_ =	shalt  }
0x7a: {  	_ =	shalt  }
0x7b: {  	_ =	shalt  }
0x7c: {  	_ =	shalt  }
0x7d: {  	_ =	shalt  }
0x7e: {  	_ =	shalt  }
0x7f: {  	_ =	shalt  }
0x80: {  	_ =	shalt  }
0x81: {  	_ =	shalt  }
0x82: {  	_ =	shalt  }
0x83: {  	_ =	shalt  }
0x84: {  	_ =	shalt  }
0x85: {  	_ =	shalt  }
0x86: {  	_ =	shalt  }
0x87: {  	_ =	shalt  }
.Lfunc_end0:
.L_simem_size_0:
called_computation.1_lowered:
.L_overlay_start_0:
0x88: {  	s2 =	sld [smem:$0x3FD9]  }
0x89: {  	s3 =	sld [smem:$0x3FFE];
	_ =	sdelay $0x1  }
0x8a: {  	s1 =	srdreg.scid  }
0x8b: {  	s0 =	sand.u32 $0x1, s1  }
0x8c: {  	s17 =	sshll.u32 s0, $0xA;
	s2 =	sadd.s32 s3, s2  }
0x8d: {  	s2 =	sadd.s32 s2, s17  }
0x8e: {  	[smem:$0x3FBC] =	sst s2  }
0x8f: {  	_ = 	snop  }
0x90: {  	s18 =	sld [smem:$0x3FD0];
	(tm) =	ssettm $0x1  }
0x91: {  	s19 =	sld [smem:$0x3FFB];
	_ =	sdelay $0x3  }
0x92: {  	_ =	strace s19  }
0x93: {  	s2 =	sld [smem:$0x3FFC];
	_ =	sdelay $0x3  }
0x94: {  	_ =	strace s2  }
0x95: {  	s2 =	sld [smem:$0x3FFD];
	_ =	sdelay $0x3  }
0x96: {  	_ =	strace s2  }
0x97: {  	_ =	strace $0x8FFFFFFF  }
0x98: {  	s20 =	sld [smem:$0x3FDB];
	_ =	sdelay $0x1  }
0x99: {  	s4 =	simm.s32 $_scs_section_size  }
0x9a: {  	s5 =	simm.s32 $_size__tile_overlayer_lowered;
	s6 =	simm.s32 $_tile_overlayer_lowered  }
0x9b: {  	s7 =	simm.s32 $0x1BFF;
	s21 =	sshll.u32 s6, $0x1;
	s4 =	sadd.s32 s4, s20  }
0x9c: {  	s22 =	simm.s32 $0x0;
	s5 =	sshll.u32 s5, $0x1;
	s6 =	sadd.s32 s21, s4  }
0x9d: {  	[timem:s22], [sflag:s7] =	dma.local [hbm:s6], s5  }
0x9e: {  	_ =	swait.ge [sflag:s7], s5  }
0x9f: {  	s5 =	ssub.s32 $0x0, s5;
	[sflag:s7] =	ssyncset.done $0x0  }
0xa0: {  	[sflag:s7] =	ssyncadd.s32 s5;
	_ =	sdelay $0x1  }
0xa1: {  	s23 =	simm.s32 $0x1B8B  }
0xa2: {  	_ =	swait.ge [sflag:s23], $0x1  }
0xa3: {  	[sflag:s23] =	ssyncset.done $0x0  }
0xa4: {  	[sflag:s23] =	ssyncadd.s32 $0xFFFFFFFF  }
0xa5: {  	s5 =	sld [smem:$0x0]  }
0xa6: {  	s6 =	sand.u32 $0xFFFFFFFE, s1  }
0xa7: {  	p0 =	sne.s32 s1, s6  }
0xa8: {  	s6 =	sshll.u32 @p0 s6, $0xE  }
0xa9: {  	s6 =	sadd.s32 @p0 $0x11B8D, s6;
	s7 =	sshll.u32 @p0 s5, $0x11  }
0xaa: {  	s6 =	sor.u32 @p0 s7, s6  }
0xab: {  	[sflag:s6] =	ssyncadd.remote.s32 @p0 $0x1;
	_ =	sdelay $0x1  }
0xac: {  	s6 =	simm.s32 @p0 $0x1B8D  }
0xad: {  	_ =	swait.eq @p0 [sflag:s6], $0x1  }
0xae: {  	[sflag:s6] =	ssyncadd.s32 @p0 $0xFFFFFFFF  }
0xaf: {  	s7 =	sshll.u32 @!p0 s1, $0xE  }
0xb0: {  	s7 =	sor.u32 @!p0 $0x4000, s7;
	s6 =	simm.s32 @!p0 $0x1B8D  }
0xb1: {  	s5 =	sshll.u32 @!p0 s5, $0x11;
	s7 =	sadd.s32 @!p0 $0x11B8D, s7;
	_ =	swait.eq @!p0 [sflag:s6], $0x1  }
0xb2: {  	s5 =	sor.u32 @!p0 s5, s7;
	[sflag:s6] =	ssyncadd.s32 @!p0 $0xFFFFFFFF  }
0xb3: {  	s25 =	simm.s32 $0x1B8E;
	s24 =	sld [smem:$0x3FFE];
	[sflag:s5] =	ssyncadd.remote.s32 @!p0 $0x1  }
0xb4: {  	s26 =	simm.s32 $execute0_lowered;
	[smem:$0x3FD2] =	sst s25  }
0xb5: {  	s6 =	sshll.u32 s26, $0x1;
	_ =	strace $0x80000049;
	[dreg:$0x1] =	wrdreg $0xFFFFFFFF  }
0xb6: {  	s28 =	simm.s32 $_size_execute0_lowered;
	s4 =	sadd.s32 s4, s6;
	[dreg:$0x0] =	wrdreg $0x0  }
0xb7: {  	s6 =	sshll.u32 s28, $0x1;
	[dreg:$0x2] =	wrdreg s4  }
0xb8: {  	[dreg:$0x3] =	wrdreg s6  }
0xb9: {  	[dreg:$0x4] =	wrdreg $0xC0  }
0xba: {  	_ =	task [dreg:s22], $0x5FFFF  }
0xbb: {  	[dreg:$0x1] =	wrdreg $0xFFFFFFFF  }
0xbc: {  	[dreg:$0x0] =	wrdreg $0x60  }
0xbd: {  	[dreg:$0x2] =	wrdreg s24  }
0xbe: {  	[dreg:$0x3] =	wrdreg s18  }
0xbf: {  	[dreg:$0x4] =	wrdreg $0x82000  }
0xc0: {  	[dreg:$0x5] =	wrdreg $0xA  }
0xc1: {  	_ =	task.clear_ibuf [dreg:s22], $0x6FFFF;
	_ =	strace $0x90000049  }
0xc2: {  	s29 =	simm.s32 $0xA;
	_ =	strace $0x8000004B  }
0xc3: {  	_ =	swait.ge [sflag:s29], $0x1  }
0xc4: {  	[sflag:s29] =	ssyncadd.s32 $0xFFFFFFFF  }
0xc5: {  	_ =	strace $0x9000004B  }
0xc6: {  	_ =	sfence  }
0xc7: {  	s30 =	sld [smem:$0x0];
	_ =	sdelay $0x2  }
0xc8: {  	s31 =	sshll.u32 s1, $0xD;
	s1 =	sshrl.u32 s1, $0x2  }
0xc9: {  	s4 =	sand.u32 $0x4000, s31;
	s1 =	sadd.s32 s1, s30  }
0xca: {  	s0 =	sor.u32 s4, s0;
	s1 =	sshll.u32 s1, $0x11  }
0xcb: {  	s0 =	sor.u32 s1, s0  }
0xcc: {  	s0 =	sadd.s32 $0x8F2B, s0  }
0xcd: {  	[sflag:s0] =	ssyncadd.remote.s32 $0x1  }
0xce: {  	_ =	sfence.sel $0xFFFF  }
0xcf: {  	[dreg:$0x0] =	wrdreg $0xFFFFFFFF;
	(pc) =	sbr.abs _section_cstart, $3  }
0xd0: {  	[dreg:$0x1] =	wrdreg $0xFFFFFFFF  }
0xd1: {  	_ =	task.clear_ibuf [dreg:s22], $0x2FFFF;
	_ =	strace $0x9FFFFFFF  }
0xd2: {  	(tm) =	ssettm $0x7FFFFFFF  }
0xd3: {  	_ =	shalt  }
tec
execute0_lowered:
.L_overlay_start_1:
0x0: {  	(tag) =	ssettag $0x1  }
0x1: {  	s5 =	rddreg [dreg:$0x0]  }
0x2: {  	s19 =	rddreg [dreg:$0x1]  }
0x3: {  	s2 =	rddreg [dreg:$0x2]  }
0x4: {  	s4 =	srdreg.scid;
	s1 =	stileid.u32  }
0x5: {  	s3 =	simm.s32 $0x0;
	s21 =	simm.s32 $0x3;
	s22 =	simm.s32 $0x80  }
0x6: {  	s23 =	simm.s32 $0x1;
	s28 =	simm.s32 $0x2;
	s6 =	smul.u32 $0x2780, s1  }
0x7: {  	s29 =	simm.s32 $0x0;
	s8 =	sand.u32 $0x1, s4;
	s24 =	smul.u32 $0x4F000, s1  }
0x8: {  	[smem:$0x7FF] =	sst s3;
	s4 =	sadd.s32 $0x70400, s5;
	s14 =	smul.u32 $0x5000, s1  }
0x9: {  	s18 =	sadd.s32 $0x3400, s5;
	s25 =	sshll.u32 s1, $0x1;
	s7 =	smul.u32 $0x27800, s8  }
0xa: {  	_ =	strace $0x8000004A;
	s26 =	ssub.s32 $0x2, s8;
	s9 =	sor.u32 s8, s25  }
0xb: {  	s16 =	smul.u32 $0x2800, s8;
	s25 =	simm.s32 $0x180;
	s30 =	sshrl.u32 s24, $0x2  }
0xc: {  	s31 =	sshrl.u32 s26, $0x1;
	s9 =	smul.u32 $0x2800, s9;
	s24 =	simm.s32 $0x100  }
0xd: {  	s6 =	sadd.s32 s6, s7;
	s13 =	ssub.s32 s26, s31;
	s16 =	sadd.s32 s16, s14  }
0xe: {  	s26 =	simm.s32 $0x4200;
	s12 =	sadd.s32 s6, s5;
	s5 =	sadd.s32 s30, s2  }
0xf: {  	s15 =	sshrl.u32 s9, $0x3;
	s13 =	smax.u32 s13, $0x1;
	s17 =	sor.u32 $0x100, s16  }
0x10: {  	s20 =	sor.u32 $0x80, s16;
	s6 =	sadd.s32 $0x4000, s5;
	s7 =	sadd.s32 $0x8000, s5  }
0x11: {  	s8 =	sadd.s32 $0xC000, s5;
	s9 =	sadd.s32 $0x10000, s5;
	s10 =	sadd.s32 s19, s15  }
0x12: {  	s11 =	sadd.s32 s18, s15;
	s12 =	sadd.s32 $0x97C00, s12;
	s15 =	sadd.s32 $0x4F0, s15  }
0x13: {  	s17 =	sshrl.u32 s17, $0x3;
	s20 =	sshrl.u32 s20, $0x3;
	s14 =	sadd.s32 s19, s15  }
0x14: {  	s15 =	sadd.s32 s18, s15;
	s16 =	sadd.s32 s17, s18;
	s17 =	sadd.s32 s17, s19  }
0x15: {  	v0 =	vimm.f32 $0.0e+00;
	s18 =	sadd.s32 s20, s18;
	s19 =	sadd.s32 s20, s19;
	s20 =	simm.s32 $0x200  }
.LBB2_1:
0x16: {  	s30 =	simm.s32 $0x0;
	s31 =	simm.s32 $0x200  }
.LBB2_2:
0x17: {  	p0 =	sne.s32 s31, $0xFE00;
	[tilespmem:s30+$0x270] =	vst v0  }
0x18: {  	[tilespmem:s30+$0x200] =	vst v0  }
0x19: {  	[tilespmem:s30+$0x210] =	vst v0  }
.Ltmp0:
0x1a: {  	[tilespmem:s30+$0x220] =	vst v0;
	(pc) =	sbr.rel @p0 .LBB2_2-.Ltmp0, $4  }
0x1b: {  	[tilespmem:s30+$0x230] =	vst v0  }
0x1c: {  	[tilespmem:s30+$0x240] =	vst v0  }
0x1d: {  	[tilespmem:s30+$0x250] =	vst v0  }
0x1e: {  	[tilespmem:s30+$0x260] =	vst v0;
	s30 =	sshra.s32 s31, $0x2;
	s31 =	sadd.s32 $0x200, s31  }
0x1f: {  	[tilespmem:s30+$0x270] =	vst v0  }
0x20: {  	[tilespmem:s30+$0x200] =	vst v0  }
0x21: {  	[tilespmem:s30+$0x210] =	vst v0  }
0x22: {  	[tilespmem:s30+$0x220] =	vst v0  }
0x23: {  	[tilespmem:s30+$0x230] =	vst v0  }
0x24: {  	[tilespmem:s30+$0x240] =	vst v0  }
0x25: {  	[tilespmem:s30+$0x250] =	vst v0  }
0x26: {  	[tilespmem:s30+$0x260] =	vst v0  }
0x27: {  	[spmem:s5] =	stream.linear.scatter [tilespmem:s20], [sflag:$0x3], $0x4000, $0x38;
	[tilespmem:$0x1BE00] =	vst v63  }
0x28: {  	_ =	swait.ge [sflag:s21], $0x4000  }
0x29: {  	[sflag:s21] =	ssyncset.done $0x0  }
0x2a: {  	[sflag:s21] =	ssyncadd.s32 $0xFFFFC000  }
0x2b: {  	[spmem:s6] =	stream.linear.scatter [tilespmem:s20], [sflag:$0x3], $0x4000, $0x38;
	[tilespmem:$0x1BE00] =	vst v63  }
0x2c: {  	_ =	swait.ge [sflag:s21], $0x4000  }
0x2d: {  	[sflag:s21] =	ssyncset.done $0x0  }
0x2e: {  	[sflag:s21] =	ssyncadd.s32 $0xFFFFC000  }
0x2f: {  	[spmem:s7] =	stream.linear.scatter [tilespmem:s20], [sflag:$0x3], $0x4000, $0x38;
	[tilespmem:$0x1BE00] =	vst v63  }
0x30: {  	_ =	swait.ge [sflag:s21], $0x4000  }
0x31: {  	[sflag:s21] =	ssyncset.done $0x0  }
0x32: {  	[sflag:s21] =	ssyncadd.s32 $0xFFFFC000  }
0x33: {  	[spmem:s8] =	stream.linear.scatter [tilespmem:s20], [sflag:$0x3], $0x4000, $0x38;
	[tilespmem:$0x1BE00] =	vst v63  }
0x34: {  	_ =	swait.ge [sflag:s21], $0x4000  }
0x35: {  	[sflag:s21] =	ssyncset.done $0x0  }
0x36: {  	[sflag:s21] =	ssyncadd.s32 $0xFFFFC000  }
0x37: {  	[spmem:s9] =	stream.linear.scatter [tilespmem:s20], [sflag:$0x3], $0x3C00, $0x38;
	[tilespmem:$0x1BE00] =	vst v63  }
0x38: {  	_ =	swait.ge [sflag:s21], $0x3C00  }
0x39: {  	[sflag:s21] =	ssyncset.done $0x0  }
0x3a: {  	[sflag:s21] =	ssyncadd.s32 $0xFFFFC400  }
0x3b: {  	s30 =	simm.s32 $0x0;
	[bflag:$0x0] =	sbarrier.arrive $0xFFFF  }
0x3c: {  	[tilespmem:s30], [sflag:$0x3] =	stream.linear.gather [hbm4b:s10+s30], $0x80, $0x38;
	[tilespmem:$0x1BE00] =	vst v63  }
0x3d: {  	_ =	swait.ge [sflag:s21], $0x80  }
0x3e: {  	[sflag:s21] =	ssyncset.done $0x0  }
0x3f: {  	[sflag:s21] =	ssyncadd.s32 $0xFFFFFF80  }
0x40: {  	[tilespmem:s22], [sflag:$0x3] =	stream.linear.gather [hbm4b:s11+s30], $0x80, $0x38;
	[tilespmem:$0x1BE00] =	vst v63  }
0x41: {  	_ =	swait.ge [sflag:s21], $0x80  }
0x42: {  	[sflag:s21] =	ssyncset.done $0x0  }
0x43: {  	[sflag:s21] =	ssyncadd.s32 $0xFFFFFF80  }
0x44: {  	[tilespmem:s20], [sflag:$0x1] =	stream.indirect.gather [hbm4b:s4+s22], $0x80, s30, s22, $0xb8;
	[tilespmem:$0x1BE00] =	vst v63  }
0x45: {  	_ =	swait.ge [sflag:s23], $0x4000  }
0x46: {  	[sflag:s23] =	ssyncset.done $0x0  }
0x47: {  	s30 =	sadd.s32 $0x0, s19;
	[sflag:s23] =	ssyncadd.s32 $0xFFFFC000  }
0x48: {  	[tilespmem:s24], [sflag:$0x3] =	stream.linear.gather [hbm4b:s30+s3], $0x80, $0x38;
	[tilespmem:$0x1BE00] =	vst v63  }
0x49: {  	_ =	swait.ge [sflag:s21], $0x80  }
0x4a: {  	[sflag:s21] =	ssyncset.done $0x0  }
0x4b: {  	s30 =	sadd.s32 $0x0, s18;
	[sflag:s21] =	ssyncadd.s32 $0xFFFFFF80  }
0x4c: {  	[tilespmem:s25], [sflag:$0x3] =	stream.linear.gather [hbm4b:s30+s3], $0x80, $0x38;
	[tilespmem:$0x1BE00] =	vst v63  }
0x4d: {  	_ =	swait.ge [sflag:s21], $0x80  }
0x4e: {  	[sflag:s21] =	ssyncset.done $0x0  }
0x4f: {  	[sflag:s21] =	ssyncadd.s32 $0xFFFFFF80  }
0x50: {  	[tilespmem:s26], [sflag:$0x2] =	stream.indirect.gather [hbm4b:s4+s22], $0x80, s24, s22, $0xb8;
	[tilespmem:$0x1BE00] =	vst v63  }
0x51: {  	_ = 	snop  }
0x52: {  	[spmem:s2] =	stream.indirect.scatter.add.f32 [tilespmem:s20], [sflag:$0x3], $0x80, s22, s22, $0xb8;
	[tilespmem:$0x1BE00] =	vst v63  }
0x53: {  	_ =	swait.ge [sflag:s21], $0x4000  }
0x54: {  	[sflag:s21] =	ssyncset.done $0x0  }
0x55: {  	[sflag:s21] =	ssyncadd.s32 $0xFFFFC000  }
0x56: {  	_ =	swait.ge [sflag:s28], $0x4000  }
0x57: {  	[sflag:s28] =	ssyncset.done $0x0  }
0x58: {  	s30 =	sadd.s32 $0x0, s17;
	[sflag:s28] =	ssyncadd.s32 $0xFFFFC000  }
0x59: {  	[tilespmem:s3], [sflag:$0x3] =	stream.linear.gather [hbm4b:s30+s3], $0x80, $0x38;
	[tilespmem:$0x1BE00] =	vst v63  }
0x5a: {  	_ =	swait.ge [sflag:s21], $0x80  }
0x5b: {  	[sflag:s21] =	ssyncset.done $0x0  }
0x5c: {  	s30 =	sadd.s32 $0x0, s16;
	[sflag:s21] =	ssyncadd.s32 $0xFFFFFF80  }
0x5d: {  	[tilespmem:s22], [sflag:$0x3] =	stream.linear.gather [hbm4b:s30+s3], $0x80, $0x38;
	[tilespmem:$0x1BE00] =	vst v63  }
0x5e: {  	_ =	swait.ge [sflag:s21], $0x80  }
0x5f: {  	[sflag:s21] =	ssyncset.done $0x0  }
0x60: {  	[sflag:s21] =	ssyncadd.s32 $0xFFFFFF80  }
0x61: {  	[tilespmem:s20], [sflag:$0x1] =	stream.indirect.gather [hbm4b:s4+s22], $0x80, s3, s22, $0xb8;
	[tilespmem:$0x1BE00] =	vst v63  }
0x62: {  	_ = 	snop  }
0x63: {  	[spmem:s2] =	stream.indirect.scatter.add.f32 [tilespmem:s26], [sflag:$0x3], $0x80, s25, s22, $0xb8;
	[tilespmem:$0x1BE00] =	vst v63  }
0x64: {  	_ =	swait.ge [sflag:s21], $0x4000  }
0x65: {  	s30 =	simm.s32 $0x20;
	[sflag:s21] =	ssyncset.done $0x0  }
.LBB2_4:
0x66: {  	p0 =	sne.s32 s30, $0x4C0  }
0x67: {  	[sflag:s21] =	ssyncadd.s32 $0xFFFFC000;
	s31 =	smov.u32 s30;
	s30 =	sadd.s32 $0x20, s30  }
0x68: {  	_ = 	snop  }
0x69: {  	_ =	swait.ge [sflag:s23], $0x4000  }
0x6a: {  	[sflag:s23] =	ssyncset.done $0x0  }
0x6b: {  	s0 =	sadd.s32 s31, s19;
	[sflag:s23] =	ssyncadd.s32 $0xFFFFC000  }
0x6c: {  	[tilespmem:s24], [sflag:$0x3] =	stream.linear.gather [hbm4b:s0+s3], $0x80, $0x38;
	[tilespmem:$0x1BE00] =	vst v63  }
0x6d: {  	_ =	swait.ge [sflag:s21], $0x80  }
0x6e: {  	[sflag:s21] =	ssyncset.done $0x0  }
0x6f: {  	s0 =	sadd.s32 s31, s18;
	[sflag:s21] =	ssyncadd.s32 $0xFFFFFF80  }
0x70: {  	[tilespmem:s25], [sflag:$0x3] =	stream.linear.gather [hbm4b:s0+s3], $0x80, $0x38;
	[tilespmem:$0x1BE00] =	vst v63  }
0x71: {  	_ =	swait.ge [sflag:s21], $0x80  }
0x72: {  	[sflag:s21] =	ssyncset.done $0x0  }
0x73: {  	[sflag:s21] =	ssyncadd.s32 $0xFFFFFF80  }
0x74: {  	[tilespmem:s26], [sflag:$0x2] =	stream.indirect.gather [hbm4b:s4+s22], $0x80, s24, s22, $0xb8;
	[tilespmem:$0x1BE00] =	vst v63  }
0x75: {  	_ = 	snop  }
0x76: {  	[spmem:s2] =	stream.indirect.scatter.add.f32 [tilespmem:s20], [sflag:$0x3], $0x80, s22, s22, $0xb8;
	[tilespmem:$0x1BE00] =	vst v63  }
0x77: {  	_ =	swait.ge [sflag:s21], $0x4000  }
0x78: {  	[sflag:s21] =	ssyncset.done $0x0  }
0x79: {  	[sflag:s21] =	ssyncadd.s32 $0xFFFFC000  }
0x7a: {  	_ =	swait.ge [sflag:s28], $0x4000  }
0x7b: {  	[sflag:s28] =	ssyncset.done $0x0  }
0x7c: {  	s0 =	sadd.s32 s31, s17;
	[sflag:s28] =	ssyncadd.s32 $0xFFFFC000  }
0x7d: {  	[tilespmem:s3], [sflag:$0x3] =	stream.linear.gather [hbm4b:s0+s3], $0x80, $0x38;
	[tilespmem:$0x1BE00] =	vst v63  }
0x7e: {  	_ =	swait.ge [sflag:s21], $0x80  }
0x7f: {  	[sflag:s21] =	ssyncset.done $0x0  }
0x80: {  	s0 =	sadd.s32 s31, s16;
	[sflag:s21] =	ssyncadd.s32 $0xFFFFFF80  }
0x81: {  	[tilespmem:s22], [sflag:$0x3] =	stream.linear.gather [hbm4b:s0+s3], $0x80, $0x38;
	[tilespmem:$0x1BE00] =	vst v63  }
0x82: {  	_ =	swait.ge [sflag:s21], $0x80  }
0x83: {  	[sflag:s21] =	ssyncset.done $0x0  }
0x84: {  	[sflag:s21] =	ssyncadd.s32 $0xFFFFFF80  }
0x85: {  	[tilespmem:s20], [sflag:$0x1] =	stream.indirect.gather [hbm4b:s4+s22], $0x80, s3, s22, $0xb8;
	[tilespmem:$0x1BE00] =	vst v63  }
.Ltmp1:
0x86: {  	_ = 	snop;
	(pc) =	sbr.rel @p0 .LBB2_4-.Ltmp1, $4  }
0x87: {  	_ = 	snop  }
0x88: {  	[spmem:s2] =	stream.indirect.scatter.add.f32 [tilespmem:s26], [sflag:$0x3], $0x80, s25, s22, $0xb8;
	[tilespmem:$0x1BE00] =	vst v63  }
0x89: {  	_ =	swait.ge [sflag:s21], $0x4000  }
0x8a: {  	[sflag:s21] =	ssyncset.done $0x0  }
0x8b: {  	[sflag:s21] =	ssyncadd.s32 $0xFFFFC000  }
0x8c: {  	_ =	swait.ge [sflag:s23], $0x4000  }
0x8d: {  	[sflag:s23] =	ssyncset.done $0x0  }
0x8e: {  	[sflag:s23] =	ssyncadd.s32 $0xFFFFC000  }
0x8f: {  	[tilespmem:s24], [sflag:$0x3] =	stream.linear.gather [hbm4b:s14+s3], $0x80, $0x38;
	[tilespmem:$0x1BE00] =	vst v63  }
0x90: {  	_ =	swait.ge [sflag:s21], $0x80  }
0x91: {  	[sflag:s21] =	ssyncset.done $0x0  }
0x92: {  	[sflag:s21] =	ssyncadd.s32 $0xFFFFFF80  }
0x93: {  	[tilespmem:s25], [sflag:$0x3] =	stream.linear.gather [hbm4b:s15+s3], $0x80, $0x38;
	[tilespmem:$0x1BE00] =	vst v63  }
0x94: {  	_ =	swait.ge [sflag:s21], $0x80  }
0x95: {  	[sflag:s21] =	ssyncset.done $0x0  }
0x96: {  	[sflag:s21] =	ssyncadd.s32 $0xFFFFFF80  }
0x97: {  	[tilespmem:s26], [sflag:$0x2] =	stream.indirect.gather [hbm4b:s4+s22], $0x80, s24, s22, $0xb8;
	[tilespmem:$0x1BE00] =	vst v63  }
0x98: {  	_ = 	snop  }
0x99: {  	[spmem:s2] =	stream.indirect.scatter.add.f32 [tilespmem:s20], [sflag:$0x3], $0x80, s22, s22, $0xb8;
	[tilespmem:$0x1BE00] =	vst v63  }
0x9a: {  	_ =	swait.ge [sflag:s21], $0x4000  }
0x9b: {  	[sflag:s21] =	ssyncset.done $0x0  }
0x9c: {  	[sflag:s21] =	ssyncadd.s32 $0xFFFFC000  }
0x9d: {  	_ =	swait.ge [sflag:s28], $0x4000  }
0x9e: {  	[sflag:s28] =	ssyncset.done $0x0  }
0x9f: {  	[sflag:s28] =	ssyncadd.s32 $0xFFFFC000  }
0xa0: {  	[spmem:s2] =	stream.indirect.scatter.add.f32 [tilespmem:s26], [sflag:$0x3], $0x80, s25, s22, $0xb8;
	[tilespmem:$0x1BE00] =	vst v63  }
0xa1: {  	_ =	swait.ge [sflag:s21], $0x4000  }
0xa2: {  	s0 =	sshll.u32 s1, $0x6;
	s29 =	sadd.s32 $0x1, s29;
	[sflag:s21] =	ssyncset.done $0x0  }
0xa3: {  	s30 =	sshrl.u32 s5, $0x3;
	p0 =	sne.s32 s29, s13;
	[sflag:s21] =	ssyncadd.s32 $0xFFFFC000  }
.Ltmp2:
0xa4: {  	s0 =	sor.u32 $0x1C03, s0;
	[bflag:$0x0] =	sbarrier.arrive $0xFFFF;
	(pc) =	sbr.rel @p0 .LBB2_1-.Ltmp2, $4  }
0xa5: {  	[hbm:s12], [sflag:s0] =	dma.local [spmem:s30], $0x2780  }
0xa6: {  	_ =	swait.ge [sflag:s21], $0x2780  }
0xa7: {  	[sflag:s21] =	ssyncset.done $0x0  }
0xa8: {  	[sflag:s21] =	ssyncadd.s32 $0xFFFFD880  }
0xa9: {  	_ =	sfence.sel $0x180000  }
0xaa: {  	[bflag:$0x0] =	sbarrier.arrive $0xFFFF  }
0xab: {  	_ =	strace $0x9000004A  }
0xac: {  	[bflag:$0x2] =	sbarrier.arrive $0xFFFF  }
0xad: {  	p0 =	sne.s32 s1, $0x0;
	s0 =	rddreg [dreg:$0x3]  }
0xae: {  	s0 =	sadd.s32 @!p0 $0x100000, s0  }
0xaf: {  	[sflag:s0] =	ssyncadd.tile.s32 @!p0 $0x1;
	_ =	shalt  }
.Lfunc_end2:
_tile_overlayer_lowered:
.L_overlay_start_2:
0xb0: {  	(tag) =	ssettag $0x2  }
0xb1: {  	s0 =	rddreg [dreg:$0x0];
	s2 =	stileid.u32  }
0xb2: {  	s1 =	rddreg [dreg:$0x1];
	p0 =	sne.s32 s2, $0x0  }
0xb3: {  	s3 =	rddreg [dreg:$0x2];
	[bflag:$0x3] =	sbarrier.arrive $0xFFFF;
	s2 =	simm.s32 @!p0 $0x1C03  }
0xb4: {  	[timem:s3], [sflag:s2] =	dma.local @!p0 [hbm:s0], s1  }
0xb5: {  	s0 =	simm.s32 @!p0 $0x3  }
0xb6: {  	_ =	swait.ge @!p0 [sflag:s0], s1  }
0xb7: {  	s1 =	ssub.s32 @!p0 $0x0, s1;
	[sflag:s0] =	ssyncset.done @!p0 $0x0  }
0xb8: {  	[sflag:s0] =	ssyncadd.s32 @!p0 s1  }
0xb9: {  	[bflag:$0x3] =	sbarrier.arrive $0xFFFF  }
0xba: {  	_ =	shalt  }

// kernel: kernel.13.cloned.1.call-start
scs
__scs_entry_jumppad:
0x0: {  	(pc) =	sbr.rel $0x88, $3  }
0x1: {  	(tag) =	ssettag $0x0;
	lr =	simm.s32 $0x1  }
0x2: {  	[smem:$0x3F95] =	sst lr;
	_ =	strace $0xD0000000  }
0x3: {  	_ = 	snop  }
0x4: {  	_ = 	snop  }
0x5: {  	_ = 	snop  }
0x6: {  	_ = 	snop  }
0x7: {  	_ = 	snop  }
__scs_overlays_trampoline_lowered:
0x8: {  	[smem:$0x3FA4] =	sst s0  }
0x9: {  	[smem:$0x3FA5] =	sst s1  }
0xa: {  	[smem:$0x3FA6] =	sst s2  }
0xb: {  	[smem:$0x3FA7] =	sst s3  }
0xc: {  	[smem:$0x3FA8] =	sst s4  }
0xd: {  	[smem:$0x3FA9] =	sst s5  }
0xe: {  	[smem:$0x3FAA] =	sst s6  }
0xf: {  	[smem:$0x3FAB] =	sst s7  }
0x10: {  	[smem:$0x3FAC] =	sst s8  }
0x11: {  	[smem:$0x3FAD] =	sst s9;
	s0 =	simm.s32 @!p0 $0x0  }
0x12: {  	s1 =	sld [smem:$0x3F93];
	s0 =	simm.s32 @p0 $0x1  }
0x13: {  	[smem:$0x3FAE] =	sst s0;
	s0 =	simm.s32 @!p1 $0x0  }
0x14: {  	s2 =	sld [smem:$0x3F92];
	s0 =	simm.s32 @p1 $0x1  }
0x15: {  	[smem:$0x3FAF] =	sst s0;
	s0 =	simm.s32 @!p2 $0x0  }
0x16: {  	s3 =	sld [smem:$0x3FDB];
	s0 =	simm.s32 @p2 $0x1  }
0x17: {  	s4 =	simm.s32 $0x1BF5;
	[smem:$0x3FB1] =	sst s0  }
0x18: {  	s0 =	sld [smem:$0x3F94];
	_ =	swait.ge [sflag:s4], $0x0  }
0x19: {  	s7 =	sld [smem:$0x3F95]  }
0x1a: {  	s8 =	sadd.s32 $0xFFFFE003, lr  }
0x1b: {  	s9 =	sadd.s32 $0xFFFFFEF7, lr;
	s5 =	simm.s32 $0xFFFFFFFF;
	p2 =	slt.u32 s8, $0xFFFFF086  }
0x1c: {  	p1 =	slt.u32 s9, $0xF7A;
	s5 =	simm.s32 @!p2 $0x0  }
0x1d: {  	s5 =	simm.s32 @p1 $0x1;
	p0 =	seq.s32 s7, s2  }
0x1e: {  	s7 =	smul.u32 @!p0 $0xF7A, s2;
	p2 =	seq.s32 @!p0 s5, $0x0  }
0x1f: {  	s9 =	smul.u32 $0xF7A, s1;
	s8 =	simm.s32 @!p0 $0x1BF5;
	p2 =	por !p2, p0  }
0x20: {  	[sflag:s8] =	ssyncset.s32 @!p0 $0xFFFFF086;
	s6 =	sadd.s32 @!p0 s3, s7;
	s7 =	simm.s32 @!p0 $0x108  }
0x21: {  	s3 =	sadd.s32 s3, s9;
	s6 =	sadd.s32 @!p0 $0x88, s6;
	s7 =	simm.s32 @p2 $0x1082  }
0x22: {  	[simem:s7], [sflag:s8] =	dma.local @!p0 [hbm:s6], $0xF7A  }
0x23: {  	s9 =	sor.u32 $0xD0000000, s2;
	s6 =	simm.s32 $0x108;
	_ =	swait.ge @!p0 [sflag:s8], $0x0  }
0x24: {  	s3 =	sadd.s32 $0x88, s3;
	s6 =	simm.s32 @!p1 $0x1082;
	[sflag:s4] =	ssyncset.s32 $0xFFFFF086  }
0x25: {  	[simem:s6], [sflag:s4] =	dma.local [hbm:s3], $0xF7A  }
0x26: {  	[smem:$0x3F95] =	sst s1;
	(tag) =	ssettag s2;
	_ =	strace s9  }
0x27: {  	s1 =	sld [smem:$0x3FA5]  }
0x28: {  	s2 =	sld [smem:$0x3FA6]  }
0x29: {  	s4 =	sld [smem:$0x3FA8]  }
0x2a: {  	p0 =	seq.s32 s5, $0x0;
	s5 =	sld [smem:$0x3FA9]  }
0x2b: {  	s6 =	sld [smem:$0x3FAA]  }
0x2c: {  	s7 =	sld [smem:$0x3FAB]  }
0x2d: {  	s3 =	simm.s32 $0x108;
	s8 =	sld [smem:$0x3FAC]  }
0x2e: {  	s3 =	simm.s32 @!p0 $0x1082;
	s9 =	sld [smem:$0x3FAD]  }
0x2f: {  	lr =	sadd.s32 s0, s3;
	s0 =	sld [smem:$0x3FA4]  }
0x30: {  	s3 =	sld [smem:$0x3FA7]  }
0x31: {  	[smem:$0x3FB0] =	sst s10  }
0x32: {  	s10 =	sld [smem:$0x3FAE];
	_ =	sdelay $0x3  }
0x33: {  	p0 =	seq.s32 s10, $0x1;
	s10 =	sld [smem:$0x3FB0];
	_ =	sdelay $0x3  }
0x34: {  	[smem:$0x3FB0] =	sst s10  }
0x35: {  	s10 =	sld [smem:$0x3FAF];
	_ =	sdelay $0x3  }
0x36: {  	p1 =	seq.s32 s10, $0x1;
	s10 =	sld [smem:$0x3FB0];
	_ =	sdelay $0x3  }
0x37: {  	[smem:$0x3FB0] =	sst s10  }
0x38: {  	s10 =	sld [smem:$0x3FB1]  }
0x39: {  	_ = 	snop;
	(pc) =	sbr.ind lr, $3  }
0x3a: {  	_ = 	snop  }
0x3b: {  	_ = 	snop  }
0x3c: {  	p2 =	seq.s32 s10, $0x1;
	s10 =	sld [smem:$0x3FB0]  }
0x3d: {  	_ =	shalt  }
0x3e: {  	_ =	shalt  }
0x3f: {  	_ =	shalt  }
0x40: {  	_ =	shalt  }
0x41: {  	_ =	shalt  }
0x42: {  	_ =	shalt  }
0x43: {  	_ =	shalt  }
0x44: {  	_ =	shalt  }
0x45: {  	_ =	shalt  }
0x46: {  	_ =	shalt  }
0x47: {  	_ =	shalt  }
0x48: {  	_ =	shalt  }
0x49: {  	_ =	shalt  }
0x4a: {  	_ =	shalt  }
0x4b: {  	_ =	shalt  }
0x4c: {  	_ =	shalt  }
0x4d: {  	_ =	shalt  }
0x4e: {  	_ =	shalt  }
0x4f: {  	_ =	shalt  }
0x50: {  	_ =	shalt  }
0x51: {  	_ =	shalt  }
0x52: {  	_ =	shalt  }
0x53: {  	_ =	shalt  }
0x54: {  	_ =	shalt  }
0x55: {  	_ =	shalt  }
0x56: {  	_ =	shalt  }
0x57: {  	_ =	shalt  }
0x58: {  	_ =	shalt  }
0x59: {  	_ =	shalt  }
0x5a: {  	_ =	shalt  }
0x5b: {  	_ =	shalt  }
0x5c: {  	_ =	shalt  }
0x5d: {  	_ =	shalt  }
0x5e: {  	_ =	shalt  }
0x5f: {  	_ =	shalt  }
0x60: {  	_ =	shalt  }
0x61: {  	_ =	shalt  }
0x62: {  	_ =	shalt  }
0x63: {  	_ =	shalt  }
0x64: {  	_ =	shalt  }
0x65: {  	_ =	shalt  }
0x66: {  	_ =	shalt  }
0x67: {  	_ =	shalt  }
0x68: {  	_ =	shalt  }
0x69: {  	_ =	shalt  }
0x6a: {  	_ =	shalt  }
0x6b: {  	_ =	shalt  }
0x6c: {  	_ =	shalt  }
0x6d: {  	_ =	shalt  }
0x6e: {  	_ =	shalt  }
0x6f: {  	_ =	shalt  }
0x70: {  	_ =	shalt  }
0x71: {  	_ =	shalt  }
0x72: {  	_ =	shalt  }
0x73: {  	_ =	shalt  }
0x74: {  	_ =	shalt  }
0x75: {  	_ =	shalt  }
0x76: {  	_ =	shalt  }
0x77: {  	_ =	shalt  }
0x78: {  	_ =	shalt  }
0x79: {  	_ =	shalt  }
0x7a: {  	_ =	shalt  }
0x7b: {  	_ =	shalt  }
0x7c: {  	_ =	shalt  }
0x7d: {  	_ =	shalt  }
0x7e: {  	_ =	shalt  }
0x7f: {  	_ =	shalt  }
0x80: {  	_ =	shalt  }
0x81: {  	_ =	shalt  }
0x82: {  	_ =	shalt  }
0x83: {  	_ =	shalt  }
0x84: {  	_ =	shalt  }
0x85: {  	_ =	shalt  }
0x86: {  	_ =	shalt  }
0x87: {  	_ =	shalt  }
.Lfunc_end0:
.L_simem_size_0:
called_computation.2_lowered:
.L_overlay_start_0:
0x88: {  	s2 =	sld [smem:$0x3FD9]  }
0x89: {  	s3 =	sld [smem:$0x3FFE];
	_ =	sdelay $0x1  }
0x8a: {  	s1 =	srdreg.scid  }
0x8b: {  	s0 =	sand.u32 $0x1, s1  }
0x8c: {  	s17 =	sshll.u32 s0, $0xA;
	s2 =	sadd.s32 s3, s2  }
0x8d: {  	s2 =	sadd.s32 s2, s17  }
0x8e: {  	[smem:$0x3FBC] =	sst s2  }
0x8f: {  	_ = 	snop  }
0x90: {  	s2 =	sld [smem:$0x3FD0];
	(tm) =	ssettm $0x1  }
0x91: {  	s18 =	sld [smem:$0x3FFB];
	_ =	sdelay $0x3  }
0x92: {  	_ =	strace s18  }
0x93: {  	s3 =	sld [smem:$0x3FFC];
	_ =	sdelay $0x3  }
0x94: {  	_ =	strace s3  }
0x95: {  	s3 =	sld [smem:$0x3FFD];
	_ =	sdelay $0x3  }
0x96: {  	_ =	strace s3  }
0x97: {  	_ =	strace $0x8FFFFFFF  }
0x98: {  	s19 =	sld [smem:$0x3FDB];
	_ =	sdelay $0x1  }
0x99: {  	s4 =	simm.s32 $_scs_section_size  }
0x9a: {  	s5 =	simm.s32 $_size__tile_overlayer_lowered;
	s6 =	simm.s32 $_tile_overlayer_lowered  }
0x9b: {  	s22 =	simm.s32 $0x1BFF;
	s21 =	sshll.u32 s6, $0x1;
	s3 =	sadd.s32 s4, s19  }
0x9c: {  	s7 =	simm.s32 $0x0;
	s20 =	sshll.u32 s5, $0x1;
	s5 =	sadd.s32 s21, s3  }
0x9d: {  	[timem:s7], [sflag:s22] =	dma.local [hbm:s5], s20  }
0x9e: {  	_ =	swait.ge [sflag:s22], s20  }
0x9f: {  	s4 =	ssub.s32 $0x0, s20;
	[sflag:s22] =	ssyncset.done $0x0  }
0xa0: {  	[sflag:s22] =	ssyncadd.s32 s4;
	_ =	sdelay $0x1  }
0xa1: {  	s23 =	simm.s32 $0x1B8B  }
0xa2: {  	_ =	swait.ge [sflag:s23], $0x1  }
0xa3: {  	[sflag:s23] =	ssyncset.done $0x0  }
0xa4: {  	s25 =	simm.s32 $0x1B8E;
	s24 =	sld [smem:$0x3FFE];
	[sflag:s23] =	ssyncadd.s32 $0xFFFFFFFF  }
0xa5: {  	s26 =	simm.s32 $execute0_lowered;
	[smem:$0x3FD2] =	sst s25  }
0xa6: {  	s5 =	sshll.u32 s26, $0x1;
	_ =	strace $0x8000004C;
	[dreg:$0x1] =	wrdreg $0xFFFFFFFF  }
0xa7: {  	s28 =	simm.s32 $_size_execute0_lowered;
	s3 =	sadd.s32 s3, s5;
	[dreg:$0x0] =	wrdreg $0x0  }
0xa8: {  	s5 =	sshll.u32 s28, $0x1;
	[dreg:$0x2] =	wrdreg s3  }
0xa9: {  	[dreg:$0x3] =	wrdreg s5  }
0xaa: {  	[dreg:$0x4] =	wrdreg $0xC0  }
0xab: {  	_ =	task [dreg:s7], $0x5FFFF  }
0xac: {  	[dreg:$0x1] =	wrdreg $0xFFFFFFFF  }
0xad: {  	[dreg:$0x0] =	wrdreg $0x60  }
0xae: {  	[dreg:$0x2] =	wrdreg s24  }
0xaf: {  	[dreg:$0x3] =	wrdreg s2  }
0xb0: {  	[dreg:$0x4] =	wrdreg $0x82000  }
0xb1: {  	[dreg:$0x5] =	wrdreg $0x9  }
0xb2: {  	_ =	task.clear_ibuf [dreg:s7], $0x6FFFF;
	_ =	strace $0x9000004C  }
0xb3: {  	s29 =	simm.s32 $0x9;
	_ =	strace $0x8000004E  }
0xb4: {  	_ =	swait.ge [sflag:s29], $0x1  }
0xb5: {  	[sflag:s29] =	ssyncadd.s32 $0xFFFFFFFF  }
0xb6: {  	_ =	strace $0x9000004E  }
0xb7: {  	_ =	sfence  }
0xb8: {  	s30 =	sld [smem:$0x0];
	_ =	sdelay $0x2  }
0xb9: {  	s31 =	sshll.u32 s1, $0xD;
	s1 =	sshrl.u32 s1, $0x2  }
0xba: {  	s3 =	sand.u32 $0x4000, s31;
	s1 =	sadd.s32 s1, s30  }
0xbb: {  	s0 =	sor.u32 s3, s0;
	s1 =	sshll.u32 s1, $0x11  }
0xbc: {  	s0 =	sor.u32 s1, s0  }
0xbd: {  	s0 =	sadd.s32 $0x8F2B, s0  }
0xbe: {  	[sflag:s0] =	ssyncadd.remote.s32 $0x1  }
0xbf: {  	_ =	sfence.sel $0xFFFF  }
0xc0: {  	[dreg:$0x0] =	wrdreg $0xFFFFFFFF;
	(pc) =	sbr.abs _section_cstart, $3  }
0xc1: {  	[dreg:$0x1] =	wrdreg $0xFFFFFFFF  }
0xc2: {  	_ =	task.clear_ibuf [dreg:s7], $0x2FFFF;
	_ =	strace $0x9FFFFFFF  }
0xc3: {  	(tm) =	ssettm $0x7FFFFFFF  }
tec
execute0_lowered:
.L_overlay_start_1:
0x0: {  	(tag) =	ssettag $0x1  }
0x1: {  	s5 =	rddreg [dreg:$0x0]  }
0x2: {  	s19 =	rddreg [dreg:$0x1]  }
0x3: {  	s2 =	rddreg [dreg:$0x2]  }
0x4: {  	s4 =	srdreg.scid;
	s1 =	stileid.u32  }
0x5: {  	s3 =	simm.s32 $0x0;
	s21 =	simm.s32 $0x3;
	s22 =	simm.s32 $0x80  }
0x6: {  	s23 =	simm.s32 $0x1;
	s28 =	simm.s32 $0x2;
	s6 =	smul.u32 $0x2780, s1  }
0x7: {  	s29 =	simm.s32 $0x0;
	s8 =	sand.u32 $0x1, s4;
	s24 =	smul.u32 $0x4F000, s1  }
0x8: {  	[smem:$0x7FF] =	sst s3;
	s4 =	sadd.s32 $0x70400, s5;
	s14 =	smul.u32 $0x5000, s1  }
0x9: {  	s18 =	sadd.s32 $0x3400, s5;
	s25 =	sshll.u32 s1, $0x1;
	s7 =	smul.u32 $0x27800, s8  }
0xa: {  	_ =	strace $0x8000004D;
	s26 =	ssub.s32 $0x2, s8;
	s9 =	sor.u32 s8, s25  }
0xb: {  	s16 =	smul.u32 $0x2800, s8;
	s25 =	simm.s32 $0x180;
	s30 =	sshrl.u32 s24, $0x2  }
0xc: {  	s31 =	sshrl.u32 s26, $0x1;
	s9 =	smul.u32 $0x2800, s9;
	s24 =	simm.s32 $0x100  }
0xd: {  	s6 =	sadd.s32 s6, s7;
	s13 =	ssub.s32 s26, s31;
	s16 =	sadd.s32 s16, s14  }
0xe: {  	s26 =	simm.s32 $0x4200;
	s12 =	sadd.s32 s6, s5;
	s5 =	sadd.s32 s30, s2  }
0xf: {  	s15 =	sshrl.u32 s9, $0x3;
	s13 =	smax.u32 s13, $0x1;
	s17 =	sor.u32 $0x100, s16  }
0x10: {  	s20 =	sor.u32 $0x80, s16;
	s6 =	sadd.s32 $0x4000, s5;
	s7 =	sadd.s32 $0x8000, s5  }
0x11: {  	s8 =	sadd.s32 $0xC000, s5;
	s9 =	sadd.s32 $0x10000, s5;
	s10 =	sadd.s32 s19, s15  }
0x12: {  	s11 =	sadd.s32 s18, s15;
	s12 =	sadd.s32 $0x97C00, s12;
	s15 =	sadd.s32 $0x4F0, s15  }
0x13: {  	s17 =	sshrl.u32 s17, $0x3;
	s20 =	sshrl.u32 s20, $0x3;
	s14 =	sadd.s32 s19, s15  }
0x14: {  	s15 =	sadd.s32 s18, s15;
	s16 =	sadd.s32 s17, s18;
	s17 =	sadd.s32 s17, s19  }
0x15: {  	v0 =	vimm.f32 $0.0e+00;
	s18 =	sadd.s32 s20, s18;
	s19 =	sadd.s32 s20, s19;
	s20 =	simm.s32 $0x200  }
.LBB2_1:
0x16: {  	s30 =	simm.s32 $0x0;
	s31 =	simm.s32 $0x200  }
.LBB2_2:
0x17: {  	p0 =	sne.s32 s31, $0xFE00;
	[tilespmem:s30+$0x270] =	vst v0  }
0x18: {  	[tilespmem:s30+$0x200] =	vst v0  }
0x19: {  	[tilespmem:s30+$0x210] =	vst v0  }
.Ltmp0:
0x1a: {  	[tilespmem:s30+$0x220] =	vst v0;
	(pc) =	sbr.rel @p0 .LBB2_2-.Ltmp0, $4  }
0x1b: {  	[tilespmem:s30+$0x230] =	vst v0  }
0x1c: {  	[tilespmem:s30+$0x240] =	vst v0  }
0x1d: {  	[tilespmem:s30+$0x250] =	vst v0  }
0x1e: {  	[tilespmem:s30+$0x260] =	vst v0;
	s30 =	sshra.s32 s31, $0x2;
	s31 =	sadd.s32 $0x200, s31  }
0x1f: {  	[tilespmem:s30+$0x270] =	vst v0  }
0x20: {  	[tilespmem:s30+$0x200] =	vst v0  }
0x21: {  	[tilespmem:s30+$0x210] =	vst v0  }
0x22: {  	[tilespmem:s30+$0x220] =	vst v0  }
0x23: {  	[tilespmem:s30+$0x230] =	vst v0  }
0x24: {  	[tilespmem:s30+$0x240] =	vst v0  }
0x25: {  	[tilespmem:s30+$0x250] =	vst v0  }
0x26: {  	[tilespmem:s30+$0x260] =	vst v0  }
0x27: {  	[spmem:s5] =	stream.linear.scatter [tilespmem:s20], [sflag:$0x3], $0x4000, $0x38;
	[tilespmem:$0x1BE00] =	vst v63  }
0x28: {  	_ =	swait.ge [sflag:s21], $0x4000  }
0x29: {  	[sflag:s21] =	ssyncset.done $0x0  }
0x2a: {  	[sflag:s21] =	ssyncadd.s32 $0xFFFFC000  }
0x2b: {  	[spmem:s6] =	stream.linear.scatter [tilespmem:s20], [sflag:$0x3], $0x4000, $0x38;
	[tilespmem:$0x1BE00] =	vst v63  }
0x2c: {  	_ =	swait.ge [sflag:s21], $0x4000  }
0x2d: {  	[sflag:s21] =	ssyncset.done $0x0  }
0x2e: {  	[sflag:s21] =	ssyncadd.s32 $0xFFFFC000  }
0x2f: {  	[spmem:s7] =	stream.linear.scatter [tilespmem:s20], [sflag:$0x3], $0x4000, $0x38;
	[tilespmem:$0x1BE00] =	vst v63  }
0x30: {  	_ =	swait.ge [sflag:s21], $0x4000  }
0x31: {  	[sflag:s21] =	ssyncset.done $0x0  }
0x32: {  	[sflag:s21] =	ssyncadd.s32 $0xFFFFC000  }
0x33: {  	[spmem:s8] =	stream.linear.scatter [tilespmem:s20], [sflag:$0x3], $0x4000, $0x38;
	[tilespmem:$0x1BE00] =	vst v63  }
0x34: {  	_ =	swait.ge [sflag:s21], $0x4000  }
0x35: {  	[sflag:s21] =	ssyncset.done $0x0  }
0x36: {  	[sflag:s21] =	ssyncadd.s32 $0xFFFFC000  }
0x37: {  	[spmem:s9] =	stream.linear.scatter [tilespmem:s20], [sflag:$0x3], $0x3C00, $0x38;
	[tilespmem:$0x1BE00] =	vst v63  }
0x38: {  	_ =	swait.ge [sflag:s21], $0x3C00  }
0x39: {  	[sflag:s21] =	ssyncset.done $0x0  }
0x3a: {  	[sflag:s21] =	ssyncadd.s32 $0xFFFFC400  }
0x3b: {  	s30 =	simm.s32 $0x0;
	[bflag:$0x0] =	sbarrier.arrive $0xFFFF  }
0x3c: {  	[tilespmem:s30], [sflag:$0x3] =	stream.linear.gather [hbm4b:s10+s30], $0x80, $0x38;
	[tilespmem:$0x1BE00] =	vst v63  }
0x3d: {  	_ =	swait.ge [sflag:s21], $0x80  }
0x3e: {  	[sflag:s21] =	ssyncset.done $0x0  }
0x3f: {  	[sflag:s21] =	ssyncadd.s32 $0xFFFFFF80  }
0x40: {  	[tilespmem:s22], [sflag:$0x3] =	stream.linear.gather [hbm4b:s11+s30], $0x80, $0x38;
	[tilespmem:$0x1BE00] =	vst v63  }
0x41: {  	_ =	swait.ge [sflag:s21], $0x80  }
0x42: {  	[sflag:s21] =	ssyncset.done $0x0  }
0x43: {  	[sflag:s21] =	ssyncadd.s32 $0xFFFFFF80  }
0x44: {  	[tilespmem:s20], [sflag:$0x1] =	stream.indirect.gather [hbm4b:s4+s22], $0x80, s30, s22, $0xb8;
	[tilespmem:$0x1BE00] =	vst v63  }
0x45: {  	_ =	swait.ge [sflag:s23], $0x4000  }
0x46: {  	[sflag:s23] =	ssyncset.done $0x0  }
0x47: {  	s30 =	sadd.s32 $0x0, s19;
	[sflag:s23] =	ssyncadd.s32 $0xFFFFC000  }
0x48: {  	[tilespmem:s24], [sflag:$0x3] =	stream.linear.gather [hbm4b:s30+s3], $0x80, $0x38;
	[tilespmem:$0x1BE00] =	vst v63  }
0x49: {  	_ =	swait.ge [sflag:s21], $0x80  }
0x4a: {  	[sflag:s21] =	ssyncset.done $0x0  }
0x4b: {  	s30 =	sadd.s32 $0x0, s18;
	[sflag:s21] =	ssyncadd.s32 $0xFFFFFF80  }
0x4c: {  	[tilespmem:s25], [sflag:$0x3] =	stream.linear.gather [hbm4b:s30+s3], $0x80, $0x38;
	[tilespmem:$0x1BE00] =	vst v63  }
0x4d: {  	_ =	swait.ge [sflag:s21], $0x80  }
0x4e: {  	[sflag:s21] =	ssyncset.done $0x0  }
0x4f: {  	[sflag:s21] =	ssyncadd.s32 $0xFFFFFF80  }
0x50: {  	[tilespmem:s26], [sflag:$0x2] =	stream.indirect.gather [hbm4b:s4+s22], $0x80, s24, s22, $0xb8;
	[tilespmem:$0x1BE00] =	vst v63  }
0x51: {  	_ = 	snop  }
0x52: {  	[spmem:s2] =	stream.indirect.scatter.add.f32 [tilespmem:s20], [sflag:$0x3], $0x80, s22, s22, $0xb8;
	[tilespmem:$0x1BE00] =	vst v63  }
0x53: {  	_ =	swait.ge [sflag:s21], $0x4000  }
0x54: {  	[sflag:s21] =	ssyncset.done $0x0  }
0x55: {  	[sflag:s21] =	ssyncadd.s32 $0xFFFFC000  }
0x56: {  	_ =	swait.ge [sflag:s28], $0x4000  }
0x57: {  	[sflag:s28] =	ssyncset.done $0x0  }
0x58: {  	s30 =	sadd.s32 $0x0, s17;
	[sflag:s28] =	ssyncadd.s32 $0xFFFFC000  }
0x59: {  	[tilespmem:s3], [sflag:$0x3] =	stream.linear.gather [hbm4b:s30+s3], $0x80, $0x38;
	[tilespmem:$0x1BE00] =	vst v63  }
0x5a: {  	_ =	swait.ge [sflag:s21], $0x80  }
0x5b: {  	[sflag:s21] =	ssyncset.done $0x0  }
0x5c: {  	s30 =	sadd.s32 $0x0, s16;
	[sflag:s21] =	ssyncadd.s32 $0xFFFFFF80  }
0x5d: {  	[tilespmem:s22], [sflag:$0x3] =	stream.linear.gather [hbm4b:s30+s3], $0x80, $0x38;
	[tilespmem:$0x1BE00] =	vst v63  }
0x5e: {  	_ =	swait.ge [sflag:s21], $0x80  }
0x5f: {  	[sflag:s21] =	ssyncset.done $0x0  }
0x60: {  	[sflag:s21] =	ssyncadd.s32 $0xFFFFFF80  }
0x61: {  	[tilespmem:s20], [sflag:$0x1] =	stream.indirect.gather [hbm4b:s4+s22], $0x80, s3, s22, $0xb8;
	[tilespmem:$0x1BE00] =	vst v63  }
0x62: {  	_ = 	snop  }
0x63: {  	[spmem:s2] =	stream.indirect.scatter.add.f32 [tilespmem:s26], [sflag:$0x3], $0x80, s25, s22, $0xb8;
	[tilespmem:$0x1BE00] =	vst v63  }
0x64: {  	_ =	swait.ge [sflag:s21], $0x4000  }
0x65: {  	s30 =	simm.s32 $0x20;
	[sflag:s21] =	ssyncset.done $0x0  }
.LBB2_4:
0x66: {  	p0 =	sne.s32 s30, $0x4C0  }
0x67: {  	[sflag:s21] =	ssyncadd.s32 $0xFFFFC000;
	s31 =	smov.u32 s30;
	s30 =	sadd.s32 $0x20, s30  }
0x68: {  	_ = 	snop  }
0x69: {  	_ =	swait.ge [sflag:s23], $0x4000  }
0x6a: {  	[sflag:s23] =	ssyncset.done $0x0  }
0x6b: {  	s0 =	sadd.s32 s31, s19;
	[sflag:s23] =	ssyncadd.s32 $0xFFFFC000  }
0x6c: {  	[tilespmem:s24], [sflag:$0x3] =	stream.linear.gather [hbm4b:s0+s3], $0x80, $0x38;
	[tilespmem:$0x1BE00] =	vst v63  }
0x6d: {  	_ =	swait.ge [sflag:s21], $0x80  }
0x6e: {  	[sflag:s21] =	ssyncset.done $0x0  }
0x6f: {  	s0 =	sadd.s32 s31, s18;
	[sflag:s21] =	ssyncadd.s32 $0xFFFFFF80  }
0x70: {  	[tilespmem:s25], [sflag:$0x3] =	stream.linear.gather [hbm4b:s0+s3], $0x80, $0x38;
	[tilespmem:$0x1BE00] =	vst v63  }
0x71: {  	_ =	swait.ge [sflag:s21], $0x80  }
0x72: {  	[sflag:s21] =	ssyncset.done $0x0  }
0x73: {  	[sflag:s21] =	ssyncadd.s32 $0xFFFFFF80  }
0x74: {  	[tilespmem:s26], [sflag:$0x2] =	stream.indirect.gather [hbm4b:s4+s22], $0x80, s24, s22, $0xb8;
	[tilespmem:$0x1BE00] =	vst v63  }
0x75: {  	_ = 	snop  }
0x76: {  	[spmem:s2] =	stream.indirect.scatter.add.f32 [tilespmem:s20], [sflag:$0x3], $0x80, s22, s22, $0xb8;
	[tilespmem:$0x1BE00] =	vst v63  }
0x77: {  	_ =	swait.ge [sflag:s21], $0x4000  }
0x78: {  	[sflag:s21] =	ssyncset.done $0x0  }
0x79: {  	[sflag:s21] =	ssyncadd.s32 $0xFFFFC000  }
0x7a: {  	_ =	swait.ge [sflag:s28], $0x4000  }
0x7b: {  	[sflag:s28] =	ssyncset.done $0x0  }
0x7c: {  	s0 =	sadd.s32 s31, s17;
	[sflag:s28] =	ssyncadd.s32 $0xFFFFC000  }
0x7d: {  	[tilespmem:s3], [sflag:$0x3] =	stream.linear.gather [hbm4b:s0+s3], $0x80, $0x38;
	[tilespmem:$0x1BE00] =	vst v63  }
0x7e: {  	_ =	swait.ge [sflag:s21], $0x80  }
0x7f: {  	[sflag:s21] =	ssyncset.done $0x0  }
0x80: {  	s0 =	sadd.s32 s31, s16;
	[sflag:s21] =	ssyncadd.s32 $0xFFFFFF80  }
0x81: {  	[tilespmem:s22], [sflag:$0x3] =	stream.linear.gather [hbm4b:s0+s3], $0x80, $0x38;
	[tilespmem:$0x1BE00] =	vst v63  }
0x82: {  	_ =	swait.ge [sflag:s21], $0x80  }
0x83: {  	[sflag:s21] =	ssyncset.done $0x0  }
0x84: {  	[sflag:s21] =	ssyncadd.s32 $0xFFFFFF80  }
0x85: {  	[tilespmem:s20], [sflag:$0x1] =	stream.indirect.gather [hbm4b:s4+s22], $0x80, s3, s22, $0xb8;
	[tilespmem:$0x1BE00] =	vst v63  }
.Ltmp1:
0x86: {  	_ = 	snop;
	(pc) =	sbr.rel @p0 .LBB2_4-.Ltmp1, $4  }
0x87: {  	_ = 	snop  }
0x88: {  	[spmem:s2] =	stream.indirect.scatter.add.f32 [tilespmem:s26], [sflag:$0x3], $0x80, s25, s22, $0xb8;
	[tilespmem:$0x1BE00] =	vst v63  }
0x89: {  	_ =	swait.ge [sflag:s21], $0x4000  }
0x8a: {  	[sflag:s21] =	ssyncset.done $0x0  }
0x8b: {  	[sflag:s21] =	ssyncadd.s32 $0xFFFFC000  }
0x8c: {  	_ =	swait.ge [sflag:s23], $0x4000  }
0x8d: {  	[sflag:s23] =	ssyncset.done $0x0  }
0x8e: {  	[sflag:s23] =	ssyncadd.s32 $0xFFFFC000  }
0x8f: {  	[tilespmem:s24], [sflag:$0x3] =	stream.linear.gather [hbm4b:s14+s3], $0x80, $0x38;
	[tilespmem:$0x1BE00] =	vst v63  }
0x90: {  	_ =	swait.ge [sflag:s21], $0x80  }
0x91: {  	[sflag:s21] =	ssyncset.done $0x0  }
0x92: {  	[sflag:s21] =	ssyncadd.s32 $0xFFFFFF80  }
0x93: {  	[tilespmem:s25], [sflag:$0x3] =	stream.linear.gather [hbm4b:s15+s3], $0x80, $0x38;
	[tilespmem:$0x1BE00] =	vst v63  }
0x94: {  	_ =	swait.ge [sflag:s21], $0x80  }
0x95: {  	[sflag:s21] =	ssyncset.done $0x0  }
0x96: {  	[sflag:s21] =	ssyncadd.s32 $0xFFFFFF80  }
0x97: {  	[tilespmem:s26], [sflag:$0x2] =	stream.indirect.gather [hbm4b:s4+s22], $0x80, s24, s22, $0xb8;
	[tilespmem:$0x1BE00] =	vst v63  }
0x98: {  	_ = 	snop  }
0x99: {  	[spmem:s2] =	stream.indirect.scatter.add.f32 [tilespmem:s20], [sflag:$0x3], $0x80, s22, s22, $0xb8;
	[tilespmem:$0x1BE00] =	vst v63  }
0x9a: {  	_ =	swait.ge [sflag:s21], $0x4000  }
0x9b: {  	[sflag:s21] =	ssyncset.done $0x0  }
0x9c: {  	[sflag:s21] =	ssyncadd.s32 $0xFFFFC000  }
0x9d: {  	_ =	swait.ge [sflag:s28], $0x4000  }
0x9e: {  	[sflag:s28] =	ssyncset.done $0x0  }
0x9f: {  	[sflag:s28] =	ssyncadd.s32 $0xFFFFC000  }
0xa0: {  	[spmem:s2] =	stream.indirect.scatter.add.f32 [tilespmem:s26], [sflag:$0x3], $0x80, s25, s22, $0xb8;
	[tilespmem:$0x1BE00] =	vst v63  }
0xa1: {  	_ =	swait.ge [sflag:s21], $0x4000  }
0xa2: {  	s0 =	sshll.u32 s1, $0x6;
	s29 =	sadd.s32 $0x1, s29;
	[sflag:s21] =	ssyncset.done $0x0  }
0xa3: {  	s30 =	sshrl.u32 s5, $0x3;
	p0 =	sne.s32 s29, s13;
	[sflag:s21] =	ssyncadd.s32 $0xFFFFC000  }
.Ltmp2:
0xa4: {  	s0 =	sor.u32 $0x1C03, s0;
	[bflag:$0x0] =	sbarrier.arrive $0xFFFF;
	(pc) =	sbr.rel @p0 .LBB2_1-.Ltmp2, $4  }
0xa5: {  	[hbm:s12], [sflag:s0] =	dma.local [spmem:s30], $0x2780  }
0xa6: {  	_ =	swait.ge [sflag:s21], $0x2780  }
0xa7: {  	[sflag:s21] =	ssyncset.done $0x0  }
0xa8: {  	[sflag:s21] =	ssyncadd.s32 $0xFFFFD880  }
0xa9: {  	_ =	sfence.sel $0x180000  }
0xaa: {  	[bflag:$0x0] =	sbarrier.arrive $0xFFFF  }
0xab: {  	_ =	strace $0x9000004D  }
0xac: {  	[bflag:$0x2] =	sbarrier.arrive $0xFFFF  }
0xad: {  	p0 =	sne.s32 s1, $0x0;
	s0 =	rddreg [dreg:$0x3]  }
0xae: {  	s0 =	sadd.s32 @!p0 $0x100000, s0  }
0xaf: {  	[sflag:s0] =	ssyncadd.tile.s32 @!p0 $0x1;
	_ =	shalt  }
.Lfunc_end2:
_tile_overlayer_lowered:
.L_overlay_start_2:
0xb0: {  	(tag) =	ssettag $0x2  }
0xb1: {  	s0 =	rddreg [dreg:$0x0];
	s2 =	stileid.u32  }
0xb2: {  	s1 =	rddreg [dreg:$0x1];
	p0 =	sne.s32 s2, $0x0  }
0xb3: {  	s3 =	rddreg [dreg:$0x2];
	[bflag:$0x3] =	sbarrier.arrive $0xFFFF;
	s2 =	simm.s32 @!p0 $0x1C03  }
0xb4: {  	[timem:s3], [sflag:s2] =	dma.local @!p0 [hbm:s0], s1  }
0xb5: {  	s0 =	simm.s32 @!p0 $0x3  }
0xb6: {  	_ =	swait.ge @!p0 [sflag:s0], s1  }
0xb7: {  	s1 =	ssub.s32 @!p0 $0x0, s1;
	[sflag:s0] =	ssyncset.done @!p0 $0x0  }
0xb8: {  	[sflag:s0] =	ssyncadd.s32 @!p0 s1  }
0xb9: {  	[bflag:$0x3] =	sbarrier.arrive $0xFFFF  }
0xba: {  	_ =	shalt  }

// kernel: kernel.7.cloned.1.call-start
scs
__scs_entry_jumppad:
0x0: {  	(pc) =	sbr.rel $0x88, $3  }
0x1: {  	(tag) =	ssettag $0x0;
	lr =	simm.s32 $0x1  }
0x2: {  	[smem:$0x3F95] =	sst lr;
	_ =	strace $0xD0000000  }
0x3: {  	_ = 	snop  }
0x4: {  	_ = 	snop  }
0x5: {  	_ = 	snop  }
0x6: {  	_ = 	snop  }
0x7: {  	_ = 	snop  }
__scs_overlays_trampoline_lowered:
0x8: {  	[smem:$0x3FA4] =	sst s0  }
0x9: {  	[smem:$0x3FA5] =	sst s1  }
0xa: {  	[smem:$0x3FA6] =	sst s2  }
0xb: {  	[smem:$0x3FA7] =	sst s3  }
0xc: {  	[smem:$0x3FA8] =	sst s4  }
0xd: {  	[smem:$0x3FA9] =	sst s5  }
0xe: {  	[smem:$0x3FAA] =	sst s6  }
0xf: {  	[smem:$0x3FAB] =	sst s7  }
0x10: {  	[smem:$0x3FAC] =	sst s8  }
0x11: {  	[smem:$0x3FAD] =	sst s9;
	s0 =	simm.s32 @!p0 $0x0  }
0x12: {  	s1 =	sld [smem:$0x3F93];
	s0 =	simm.s32 @p0 $0x1  }
0x13: {  	[smem:$0x3FAE] =	sst s0;
	s0 =	simm.s32 @!p1 $0x0  }
0x14: {  	s2 =	sld [smem:$0x3F92];
	s0 =	simm.s32 @p1 $0x1  }
0x15: {  	[smem:$0x3FAF] =	sst s0;
	s0 =	simm.s32 @!p2 $0x0  }
0x16: {  	s3 =	sld [smem:$0x3FDB];
	s0 =	simm.s32 @p2 $0x1  }
0x17: {  	s4 =	simm.s32 $0x1BF5;
	[smem:$0x3FB1] =	sst s0  }
0x18: {  	s0 =	sld [smem:$0x3F94];
	_ =	swait.ge [sflag:s4], $0x0  }
0x19: {  	s7 =	sld [smem:$0x3F95]  }
0x1a: {  	s8 =	sadd.s32 $0xFFFFE003, lr  }
0x1b: {  	s9 =	sadd.s32 $0xFFFFFEF7, lr;
	s5 =	simm.s32 $0xFFFFFFFF;
	p2 =	slt.u32 s8, $0xFFFFF086  }
0x1c: {  	p1 =	slt.u32 s9, $0xF7A;
	s5 =	simm.s32 @!p2 $0x0  }
0x1d: {  	s5 =	simm.s32 @p1 $0x1;
	p0 =	seq.s32 s7, s2  }
0x1e: {  	s7 =	smul.u32 @!p0 $0xF7A, s2;
	p2 =	seq.s32 @!p0 s5, $0x0  }
0x1f: {  	s9 =	smul.u32 $0xF7A, s1;
	s8 =	simm.s32 @!p0 $0x1BF5;
	p2 =	por !p2, p0  }
0x20: {  	[sflag:s8] =	ssyncset.s32 @!p0 $0xFFFFF086;
	s6 =	sadd.s32 @!p0 s3, s7;
	s7 =	simm.s32 @!p0 $0x108  }
0x21: {  	s3 =	sadd.s32 s3, s9;
	s6 =	sadd.s32 @!p0 $0x88, s6;
	s7 =	simm.s32 @p2 $0x1082  }
0x22: {  	[simem:s7], [sflag:s8] =	dma.local @!p0 [hbm:s6], $0xF7A  }
0x23: {  	s9 =	sor.u32 $0xD0000000, s2;
	s6 =	simm.s32 $0x108;
	_ =	swait.ge @!p0 [sflag:s8], $0x0  }
0x24: {  	s3 =	sadd.s32 $0x88, s3;
	s6 =	simm.s32 @!p1 $0x1082;
	[sflag:s4] =	ssyncset.s32 $0xFFFFF086  }
0x25: {  	[simem:s6], [sflag:s4] =	dma.local [hbm:s3], $0xF7A  }
0x26: {  	[smem:$0x3F95] =	sst s1;
	(tag) =	ssettag s2;
	_ =	strace s9  }
0x27: {  	s1 =	sld [smem:$0x3FA5]  }
0x28: {  	s2 =	sld [smem:$0x3FA6]  }
0x29: {  	s4 =	sld [smem:$0x3FA8]  }
0x2a: {  	p0 =	seq.s32 s5, $0x0;
	s5 =	sld [smem:$0x3FA9]  }
0x2b: {  	s6 =	sld [smem:$0x3FAA]  }
0x2c: {  	s7 =	sld [smem:$0x3FAB]  }
0x2d: {  	s3 =	simm.s32 $0x108;
	s8 =	sld [smem:$0x3FAC]  }
0x2e: {  	s3 =	simm.s32 @!p0 $0x1082;
	s9 =	sld [smem:$0x3FAD]  }
0x2f: {  	lr =	sadd.s32 s0, s3;
	s0 =	sld [smem:$0x3FA4]  }
0x30: {  	s3 =	sld [smem:$0x3FA7]  }
0x31: {  	[smem:$0x3FB0] =	sst s10  }
0x32: {  	s10 =	sld [smem:$0x3FAE];
	_ =	sdelay $0x3  }
0x33: {  	p0 =	seq.s32 s10, $0x1;
	s10 =	sld [smem:$0x3FB0];
	_ =	sdelay $0x3  }
0x34: {  	[smem:$0x3FB0] =	sst s10  }
0x35: {  	s10 =	sld [smem:$0x3FAF];
	_ =	sdelay $0x3  }
0x36: {  	p1 =	seq.s32 s10, $0x1;
	s10 =	sld [smem:$0x3FB0];
	_ =	sdelay $0x3  }
0x37: {  	[smem:$0x3FB0] =	sst s10  }
0x38: {  	s10 =	sld [smem:$0x3FB1]  }
0x39: {  	_ = 	snop;
	(pc) =	sbr.ind lr, $3  }
0x3a: {  	_ = 	snop  }
0x3b: {  	_ = 	snop  }
0x3c: {  	p2 =	seq.s32 s10, $0x1;
	s10 =	sld [smem:$0x3FB0]  }
0x3d: {  	_ =	shalt  }
0x3e: {  	_ =	shalt  }
0x3f: {  	_ =	shalt  }
0x40: {  	_ =	shalt  }
0x41: {  	_ =	shalt  }
0x42: {  	_ =	shalt  }
0x43: {  	_ =	shalt  }
0x44: {  	_ =	shalt  }
0x45: {  	_ =	shalt  }
0x46: {  	_ =	shalt  }
0x47: {  	_ =	shalt  }
0x48: {  	_ =	shalt  }
0x49: {  	_ =	shalt  }
0x4a: {  	_ =	shalt  }
0x4b: {  	_ =	shalt  }
0x4c: {  	_ =	shalt  }
0x4d: {  	_ =	shalt  }
0x4e: {  	_ =	shalt  }
0x4f: {  	_ =	shalt  }
0x50: {  	_ =	shalt  }
0x51: {  	_ =	shalt  }
0x52: {  	_ =	shalt  }
0x53: {  	_ =	shalt  }
0x54: {  	_ =	shalt  }
0x55: {  	_ =	shalt  }
0x56: {  	_ =	shalt  }
0x57: {  	_ =	shalt  }
0x58: {  	_ =	shalt  }
0x59: {  	_ =	shalt  }
0x5a: {  	_ =	shalt  }
0x5b: {  	_ =	shalt  }
0x5c: {  	_ =	shalt  }
0x5d: {  	_ =	shalt  }
0x5e: {  	_ =	shalt  }
0x5f: {  	_ =	shalt  }
0x60: {  	_ =	shalt  }
0x61: {  	_ =	shalt  }
0x62: {  	_ =	shalt  }
0x63: {  	_ =	shalt  }
0x64: {  	_ =	shalt  }
0x65: {  	_ =	shalt  }
0x66: {  	_ =	shalt  }
0x67: {  	_ =	shalt  }
0x68: {  	_ =	shalt  }
0x69: {  	_ =	shalt  }
0x6a: {  	_ =	shalt  }
0x6b: {  	_ =	shalt  }
0x6c: {  	_ =	shalt  }
0x6d: {  	_ =	shalt  }
0x6e: {  	_ =	shalt  }
0x6f: {  	_ =	shalt  }
0x70: {  	_ =	shalt  }
0x71: {  	_ =	shalt  }
0x72: {  	_ =	shalt  }
0x73: {  	_ =	shalt  }
0x74: {  	_ =	shalt  }
0x75: {  	_ =	shalt  }
0x76: {  	_ =	shalt  }
0x77: {  	_ =	shalt  }
0x78: {  	_ =	shalt  }
0x79: {  	_ =	shalt  }
0x7a: {  	_ =	shalt  }
0x7b: {  	_ =	shalt  }
0x7c: {  	_ =	shalt  }
0x7d: {  	_ =	shalt  }
0x7e: {  	_ =	shalt  }
0x7f: {  	_ =	shalt  }
0x80: {  	_ =	shalt  }
0x81: {  	_ =	shalt  }
0x82: {  	_ =	shalt  }
0x83: {  	_ =	shalt  }
0x84: {  	_ =	shalt  }
0x85: {  	_ =	shalt  }
0x86: {  	_ =	shalt  }
0x87: {  	_ =	shalt  }
.Lfunc_end0:
.L_simem_size_0:
called_computation_lowered:
.L_overlay_start_0:
0x88: {  	s2 =	sld [smem:$0x3FD9]  }
0x89: {  	s3 =	sld [smem:$0x3FFE];
	_ =	sdelay $0x1  }
0x8a: {  	s1 =	srdreg.scid  }
0x8b: {  	s0 =	sand.u32 $0x1, s1  }
0x8c: {  	s16 =	sshll.u32 s0, $0xA;
	s2 =	sadd.s32 s3, s2  }
0x8d: {  	s2 =	sadd.s32 s2, s16  }
0x8e: {  	[smem:$0x3FBC] =	sst s2  }
0x8f: {  	_ = 	snop  }
0x90: {  	(tm) =	ssettm $0x1  }
0x91: {  	s17 =	sld [smem:$0x3FFB];
	_ =	sdelay $0x3  }
0x92: {  	_ =	strace s17  }
0x93: {  	s2 =	sld [smem:$0x3FFC];
	_ =	sdelay $0x3  }
0x94: {  	_ =	strace s2  }
0x95: {  	s2 =	sld [smem:$0x3FFD];
	_ =	sdelay $0x3  }
0x96: {  	_ =	strace s2  }
0x97: {  	_ =	strace $0x8FFFFFFF  }
0x98: {  	s18 =	sld [smem:$0x3FDB];
	_ =	sdelay $0x1  }
0x99: {  	s19 =	simm.s32 $_scs_section_size  }
0x9a: {  	s4 =	simm.s32 $_size__tile_overlayer_lowered;
	s5 =	simm.s32 $_tile_overlayer_lowered  }
0x9b: {  	s22 =	simm.s32 $0x1BFF;
	s21 =	sshll.u32 s5, $0x1;
	s2 =	sadd.s32 s19, s18  }
0x9c: {  	s6 =	simm.s32 $0x0;
	s20 =	sshll.u32 s4, $0x1;
	s4 =	sadd.s32 s21, s2  }
0x9d: {  	[timem:s6], [sflag:s22] =	dma.local [hbm:s4], s20  }
0x9e: {  	_ =	swait.ge [sflag:s22], s20  }
0x9f: {  	s3 =	ssub.s32 $0x0, s20;
	[sflag:s22] =	ssyncset.done $0x0  }
0xa0: {  	[sflag:s22] =	ssyncadd.s32 s3;
	_ =	sdelay $0x1  }
0xa1: {  	s23 =	simm.s32 $0x1B8B  }
0xa2: {  	_ =	swait.ge [sflag:s23], $0x1  }
0xa3: {  	[sflag:s23] =	ssyncset.done $0x0  }
0xa4: {  	s25 =	simm.s32 $0x1B8E;
	s24 =	sld [smem:$0x3FFE];
	[sflag:s23] =	ssyncadd.s32 $0xFFFFFFFF  }
0xa5: {  	s26 =	simm.s32 $execute0_lowered;
	[smem:$0x3FD2] =	sst s25  }
0xa6: {  	s4 =	sshll.u32 s26, $0x1;
	_ =	strace $0x80000046;
	[dreg:$0x1] =	wrdreg $0xFFFFFFFF  }
0xa7: {  	s28 =	simm.s32 $_size_execute0_lowered;
	s2 =	sadd.s32 s2, s4;
	[dreg:$0x0] =	wrdreg $0x0  }
0xa8: {  	s4 =	sshll.u32 s28, $0x1;
	[dreg:$0x2] =	wrdreg s2  }
0xa9: {  	[dreg:$0x3] =	wrdreg s4  }
0xaa: {  	[dreg:$0x4] =	wrdreg $0xC0  }
0xab: {  	_ =	task [dreg:s6], $0x5FFFF  }
0xac: {  	[dreg:$0x1] =	wrdreg $0xFFFFFFFF  }
0xad: {  	[dreg:$0x0] =	wrdreg $0x60  }
0xae: {  	[dreg:$0x2] =	wrdreg s24  }
0xaf: {  	[dreg:$0x3] =	wrdreg $0x82000  }
0xb0: {  	[dreg:$0x4] =	wrdreg $0x9  }
0xb1: {  	_ =	task.clear_ibuf [dreg:s6], $0x5FFFF;
	_ =	strace $0x90000046  }
0xb2: {  	s29 =	simm.s32 $0x9;
	_ =	strace $0x80000048  }
0xb3: {  	_ =	swait.ge [sflag:s29], $0x1  }
0xb4: {  	[sflag:s29] =	ssyncadd.s32 $0xFFFFFFFF  }
0xb5: {  	_ =	strace $0x90000048  }
0xb6: {  	_ =	sfence  }
0xb7: {  	s30 =	sld [smem:$0x0];
	_ =	sdelay $0x2  }
0xb8: {  	s31 =	sshll.u32 s1, $0xD;
	s1 =	sshrl.u32 s1, $0x2  }
0xb9: {  	s3 =	sand.u32 $0x4000, s31;
	s1 =	sadd.s32 s1, s30  }
0xba: {  	s0 =	sor.u32 s3, s0;
	s1 =	sshll.u32 s1, $0x11  }
0xbb: {  	s0 =	sor.u32 s1, s0  }
0xbc: {  	s0 =	sadd.s32 $0x8F2B, s0  }
0xbd: {  	[sflag:s0] =	ssyncadd.remote.s32 $0x1  }
0xbe: {  	_ =	sfence.sel $0xFFFF  }
0xbf: {  	[dreg:$0x0] =	wrdreg $0xFFFFFFFF;
	(pc) =	sbr.abs _section_cstart, $3  }
0xc0: {  	[dreg:$0x1] =	wrdreg $0xFFFFFFFF  }
0xc1: {  	_ =	task.clear_ibuf [dreg:s6], $0x2FFFF;
	_ =	strace $0x9FFFFFFF  }
0xc2: {  	(tm) =	ssettm $0x7FFFFFFF  }
0xc3: {  	_ =	shalt  }
tec
execute0_lowered:
.L_overlay_start_1:
0x0: {  	(tag) =	ssettag $0x1  }
0x1: {  	s5 =	rddreg [dreg:$0x0];
	s1 =	srdreg.scid  }
0x2: {  	s0 =	stileid.u32;
	s2 =	rddreg [dreg:$0x1]  }
0x3: {  	s3 =	simm.s32 $0x0;
	s16 =	simm.s32 $0x3;
	s17 =	simm.s32 $0x80  }
0x4: {  	s18 =	simm.s32 $0x200;
	s19 =	simm.s32 $0x100;
	s20 =	simm.s32 $0x180  }
0x5: {  	s21 =	simm.s32 $0x1;
	s22 =	simm.s32 $0x2;
	s4 =	smul.u32 $0x2780, s0  }
0x6: {  	s9 =	sand.u32 $0x1, s1;
	s1 =	rddreg [dreg:$0x2];
	s7 =	smul.u32 $0x4F000, s0  }
0x7: {  	s23 =	simm.s32 $0x0;
	[smem:$0x7FF] =	sst s3;
	s14 =	smul.u32 $0x1400, s0  }
0x8: {  	s28 =	sshll.u32 s0, $0x1;
	s6 =	smul.u32 $0x27800, s9;
	_ =	strace $0x80000047  }
0x9: {  	s29 =	ssub.s32 $0x2, s9;
	s8 =	sor.u32 s9, s28;
	s15 =	smul.u32 $0xA00, s9  }
0xa: {  	s30 =	sshrl.u32 s7, $0x2;
	s31 =	sshrl.u32 s29, $0x1;
	s10 =	smul.u32 $0xA00, s8  }
0xb: {  	s6 =	sadd.s32 s4, s6;
	s4 =	sadd.s32 $0xD400, s5;
	s12 =	ssub.s32 s29, s31  }
0xc: {  	s14 =	sadd.s32 s15, s14;
	s15 =	simm.s32 $0x4200;
	s11 =	sadd.s32 s6, s5  }
0xd: {  	s5 =	sadd.s32 s30, s2;
	s10 =	sadd.s32 s4, s10;
	s12 =	smax.u32 s12, $0x1  }
0xe: {  	s6 =	sadd.s32 $0x4000, s5;
	s7 =	sadd.s32 $0x8000, s5;
	s8 =	sadd.s32 $0xC000, s5  }
0xf: {  	v0 =	vimm.f32 $1.000000000e+00;
	v1 =	vimm.f32 $0.0e+00;
	s9 =	sadd.s32 $0x10000, s5;
	s11 =	sadd.s32 $0x21400, s11;
	s13 =	sadd.s32 $0x9E0, s10  }
.LBB2_1:
0x10: {  	s24 =	simm.s32 $0x0;
	s25 =	simm.s32 $0x200  }
.LBB2_2:
0x11: {  	p0 =	sne.s32 s25, $0xFE00;
	[tilespmem:s24+$0x4270] =	vst v1  }
0x12: {  	[tilespmem:s24+$0x200] =	vst v0  }
0x13: {  	[tilespmem:s24+$0x4200] =	vst v1  }
0x14: {  	[tilespmem:s24+$0x210] =	vst v0  }
0x15: {  	[tilespmem:s24+$0x4210] =	vst v1  }
0x16: {  	[tilespmem:s24+$0x220] =	vst v0  }
0x17: {  	[tilespmem:s24+$0x4220] =	vst v1  }
0x18: {  	[tilespmem:s24+$0x230] =	vst v0  }
0x19: {  	[tilespmem:s24+$0x4230] =	vst v1  }
0x1a: {  	[tilespmem:s24+$0x240] =	vst v0  }
0x1b: {  	[tilespmem:s24+$0x4240] =	vst v1  }
.Ltmp0:
0x1c: {  	[tilespmem:s24+$0x250] =	vst v0;
	(pc) =	sbr.rel @p0 .LBB2_2-.Ltmp0, $4  }
0x1d: {  	[tilespmem:s24+$0x4250] =	vst v1  }
0x1e: {  	[tilespmem:s24+$0x260] =	vst v0  }
0x1f: {  	[tilespmem:s24+$0x4260] =	vst v1  }
0x20: {  	[tilespmem:s24+$0x270] =	vst v0;
	s24 =	sshra.s32 s25, $0x2;
	s25 =	sadd.s32 $0x200, s25  }
0x21: {  	[tilespmem:s24+$0x4270] =	vst v1  }
0x22: {  	[tilespmem:s24+$0x200] =	vst v0  }
0x23: {  	[tilespmem:s24+$0x4200] =	vst v1  }
0x24: {  	[tilespmem:s24+$0x210] =	vst v0  }
0x25: {  	[tilespmem:s24+$0x4210] =	vst v1  }
0x26: {  	[tilespmem:s24+$0x220] =	vst v0  }
0x27: {  	[tilespmem:s24+$0x4220] =	vst v1  }
0x28: {  	[tilespmem:s24+$0x230] =	vst v0  }
0x29: {  	[tilespmem:s24+$0x4230] =	vst v1  }
0x2a: {  	[tilespmem:s24+$0x240] =	vst v0  }
0x2b: {  	[tilespmem:s24+$0x4240] =	vst v1  }
0x2c: {  	[tilespmem:s24+$0x250] =	vst v0  }
0x2d: {  	[tilespmem:s24+$0x4250] =	vst v1  }
0x2e: {  	[tilespmem:s24+$0x260] =	vst v0  }
0x2f: {  	[tilespmem:s24+$0x4260] =	vst v1  }
0x30: {  	[tilespmem:s24+$0x270] =	vst v0  }
0x31: {  	[spmem:s5] =	stream.linear.scatter [tilespmem:s15], [sflag:$0x3], $0x4000, $0x38;
	[tilespmem:$0x1BE00] =	vst v63  }
0x32: {  	_ =	swait.ge [sflag:s16], $0x4000  }
0x33: {  	[sflag:s16] =	ssyncset.done $0x0  }
0x34: {  	[sflag:s16] =	ssyncadd.s32 $0xFFFFC000  }
0x35: {  	[spmem:s6] =	stream.linear.scatter [tilespmem:s15], [sflag:$0x3], $0x4000, $0x38;
	[tilespmem:$0x1BE00] =	vst v63  }
0x36: {  	_ =	swait.ge [sflag:s16], $0x4000  }
0x37: {  	[sflag:s16] =	ssyncset.done $0x0  }
0x38: {  	[sflag:s16] =	ssyncadd.s32 $0xFFFFC000  }
0x39: {  	[spmem:s7] =	stream.linear.scatter [tilespmem:s15], [sflag:$0x3], $0x4000, $0x38;
	[tilespmem:$0x1BE00] =	vst v63  }
0x3a: {  	_ =	swait.ge [sflag:s16], $0x4000  }
0x3b: {  	[sflag:s16] =	ssyncset.done $0x0  }
0x3c: {  	[sflag:s16] =	ssyncadd.s32 $0xFFFFC000  }
0x3d: {  	[spmem:s8] =	stream.linear.scatter [tilespmem:s15], [sflag:$0x3], $0x4000, $0x38;
	[tilespmem:$0x1BE00] =	vst v63  }
0x3e: {  	_ =	swait.ge [sflag:s16], $0x4000  }
0x3f: {  	[sflag:s16] =	ssyncset.done $0x0  }
0x40: {  	[sflag:s16] =	ssyncadd.s32 $0xFFFFC000  }
0x41: {  	[spmem:s9] =	stream.linear.scatter [tilespmem:s15], [sflag:$0x3], $0x3C00, $0x38;
	[tilespmem:$0x1BE00] =	vst v63  }
0x42: {  	_ =	swait.ge [sflag:s16], $0x3C00  }
0x43: {  	[sflag:s16] =	ssyncset.done $0x0  }
0x44: {  	[sflag:s16] =	ssyncadd.s32 $0xFFFFC400  }
0x45: {  	s29 =	simm.s32 $0x0;
	[bflag:$0x0] =	sbarrier.arrive $0xFFFF  }
0x46: {  	[tilespmem:s29], [sflag:$0x3] =	stream.linear.gather [hbm4b:s10+s29], $0x100, $0x38;
	[tilespmem:$0x1BE00] =	vst v63  }
0x47: {  	s25 =	sadd.s32 $0x0, s14;
	s24 =	sand.u32 $0x40, s29;
	_ =	swait.ge [sflag:s16], $0x100  }
0x48: {  	s26 =	sand.u32 $0xFFFFF80, s25;
	s24 =	sadd.s32 s24, s4;
	[sflag:s16] =	ssyncset.done $0x0  }
0x49: {  	s24 =	sadd.s32 s26, s24;
	[sflag:s16] =	ssyncadd.s32 $0xFFFFFF00  }
0x4a: {  	[spmem:s2] =	stream.indirect.scatter.add.f32 [tilespmem:s18], [sflag:$0x1], $0x80, s17, s17, $0xb8;
	[tilespmem:$0x1BE00] =	vst v63  }
0x4b: {  	s24 =	sadd.s32 $0x20, s24  }
0x4c: {  	[tilespmem:s19], [sflag:$0x3] =	stream.linear.gather [hbm4b:s24+s3], $0x100, $0x38;
	[tilespmem:$0x1BE00] =	vst v63  }
0x4d: {  	_ =	swait.ge [sflag:s16], $0x100  }
0x4e: {  	[sflag:s16] =	ssyncset.done $0x0  }
0x4f: {  	s28 =	simm.s32 $0x40;
	[sflag:s16] =	ssyncadd.s32 $0xFFFFFF00  }
0x50: {  	[spmem:s2] =	stream.indirect.scatter.add.f32 [tilespmem:s18], [sflag:$0x2], $0x80, s20, s17, $0xb8;
	[tilespmem:$0x1BE00] =	vst v63  }
0x51: {  	s30 =	sand.u32 $0x40, s28;
	s25 =	sadd.s32 $0x40, s25;
	_ =	swait.ge [sflag:s21], $0x4000  }
0x52: {  	s25 =	sand.u32 $0xFFFFF80, s25;
	s24 =	sadd.s32 s4, s30;
	[sflag:s21] =	ssyncset.done $0x0  }
0x53: {  	s24 =	sadd.s32 s25, s24;
	[sflag:s21] =	ssyncadd.s32 $0xFFFFC000  }
0x54: {  	[tilespmem:s3], [sflag:$0x3] =	stream.linear.gather [hbm4b:s24+s3], $0x100, $0x38;
	[tilespmem:$0x1BE00] =	vst v63  }
0x55: {  	_ =	swait.ge [sflag:s16], $0x100  }
0x56: {  	s31 =	sadd.s32 $0x40, s14;
	s28 =	sand.u32 $0x40, s28;
	[sflag:s16] =	ssyncset.done $0x0  }
0x57: {  	s28 =	sadd.s32 s28, s4;
	s29 =	sand.u32 $0xFFFFF80, s31;
	[sflag:s16] =	ssyncadd.s32 $0xFFFFFF00  }
0x58: {  	[spmem:s2] =	stream.indirect.scatter.add.f32 [tilespmem:s18], [sflag:$0x1], $0x80, s17, s17, $0xb8;
	[tilespmem:$0x1BE00] =	vst v63  }
0x59: {  	s26 =	simm.s32 $0x80;
	s28 =	sadd.s32 s29, s28;
	_ =	swait.ge [sflag:s22], $0x4000  }
0x5a: {  	s25 =	sadd.s32 $0x40, s31;
	s24 =	sand.u32 $0x40, s26;
	[sflag:s22] =	ssyncset.done $0x0  }
.LBB2_4:
0x5b: {  	s28 =	sadd.s32 $0x20, s28  }
0x5c: {  	[sflag:s22] =	ssyncadd.s32 $0xFFFFC000;
	s29 =	smov.u32 s26;
	s30 =	sadd.s32 $0x40, s26  }
0x5d: {  	[tilespmem:s19], [sflag:$0x3] =	stream.linear.gather [hbm4b:s28+s3], $0x100, $0x38;
	[tilespmem:$0x1BE00] =	vst v63  }
0x5e: {  	p0 =	sne.s32 s26, $0x980;
	s28 =	sand.u32 $0x40, s30;
	_ =	swait.ge [sflag:s16], $0x100  }
0x5f: {  	[sflag:s16] =	ssyncset.done $0x0  }
0x60: {  	[sflag:s16] =	ssyncadd.s32 $0xFFFFFF00  }
0x61: {  	[spmem:s2] =	stream.indirect.scatter.add.f32 [tilespmem:s18], [sflag:$0x2], $0x80, s20, s17, $0xb8;
	[tilespmem:$0x1BE00] =	vst v63  }
0x62: {  	_ =	swait.ge [sflag:s21], $0x4000  }
0x63: {  	s25 =	sand.u32 $0xFFFFF80, s25;
	s24 =	sadd.s32 s4, s24;
	[sflag:s21] =	ssyncset.done $0x0  }
0x64: {  	s25 =	sadd.s32 s25, s24;
	s24 =	smov.u32 s28;
	[sflag:s21] =	ssyncadd.s32 $0xFFFFC000  }
0x65: {  	[tilespmem:s3], [sflag:$0x3] =	stream.linear.gather [hbm4b:s25+s3], $0x100, $0x38;
	[tilespmem:$0x1BE00] =	vst v63  }
0x66: {  	_ =	swait.ge [sflag:s16], $0x100  }
.Ltmp1:
0x67: {  	s26 =	sand.u32 $0x40, s29;
	[sflag:s16] =	ssyncset.done $0x0;
	(pc) =	sbr.rel @p0 .LBB2_4-.Ltmp1, $4  }
0x68: {  	s26 =	sadd.s32 s26, s4;
	s25 =	sadd.s32 s29, s14;
	[sflag:s16] =	ssyncadd.s32 $0xFFFFFF00  }
0x69: {  	[spmem:s2] =	stream.indirect.scatter.add.f32 [tilespmem:s18], [sflag:$0x1], $0x80, s17, s17, $0xb8;
	[tilespmem:$0x1BE00] =	vst v63  }
0x6a: {  	s28 =	sand.u32 $0xFFFFF80, s25;
	s25 =	sadd.s32 $0x40, s25;
	_ =	swait.ge [sflag:s22], $0x4000  }
0x6b: {  	s28 =	sadd.s32 s28, s26;
	s26 =	smov.u32 s30;
	[sflag:s22] =	ssyncset.done $0x0  }
0x6c: {  	s26 =	sadd.s32 $0x20, s28;
	[sflag:s22] =	ssyncadd.s32 $0xFFFFC000  }
0x6d: {  	[tilespmem:s19], [sflag:$0x3] =	stream.linear.gather [hbm4b:s26+s3], $0x100, $0x38;
	[tilespmem:$0x1BE00] =	vst v63  }
0x6e: {  	_ =	swait.ge [sflag:s16], $0x100  }
0x6f: {  	[sflag:s16] =	ssyncset.done $0x0  }
0x70: {  	[sflag:s16] =	ssyncadd.s32 $0xFFFFFF00  }
0x71: {  	[spmem:s2] =	stream.indirect.scatter.add.f32 [tilespmem:s18], [sflag:$0x2], $0x80, s20, s17, $0xb8;
	[tilespmem:$0x1BE00] =	vst v63  }
0x72: {  	_ =	swait.ge [sflag:s21], $0x4000  }
0x73: {  	s25 =	sand.u32 $0xFFFFF80, s25;
	s24 =	sadd.s32 s4, s24;
	[sflag:s21] =	ssyncset.done $0x0  }
0x74: {  	s24 =	sadd.s32 s25, s24;
	[sflag:s21] =	ssyncadd.s32 $0xFFFFC000  }
0x75: {  	[tilespmem:s3], [sflag:$0x3] =	stream.linear.gather [hbm4b:s24+s3], $0x100, $0x38;
	[tilespmem:$0x1BE00] =	vst v63  }
0x76: {  	_ =	swait.ge [sflag:s16], $0x100  }
0x77: {  	[sflag:s16] =	ssyncset.done $0x0  }
0x78: {  	[sflag:s16] =	ssyncadd.s32 $0xFFFFFF00  }
0x79: {  	[spmem:s2] =	stream.indirect.scatter.add.f32 [tilespmem:s18], [sflag:$0x1], $0x80, s17, s17, $0xb8;
	[tilespmem:$0x1BE00] =	vst v63  }
0x7a: {  	_ =	swait.ge [sflag:s22], $0x4000  }
0x7b: {  	[sflag:s22] =	ssyncset.done $0x0  }
0x7c: {  	[sflag:s22] =	ssyncadd.s32 $0xFFFFC000  }
0x7d: {  	[tilespmem:s19], [sflag:$0x3] =	stream.linear.gather [hbm4b:s13+s3], $0x100, $0x38;
	[tilespmem:$0x1BE00] =	vst v63  }
0x7e: {  	_ =	swait.ge [sflag:s16], $0x100  }
0x7f: {  	[sflag:s16] =	ssyncset.done $0x0  }
0x80: {  	[sflag:s16] =	ssyncadd.s32 $0xFFFFFF00  }
0x81: {  	[spmem:s2] =	stream.indirect.scatter.add.f32 [tilespmem:s18], [sflag:$0x2], $0x80, s20, s17, $0xb8;
	[tilespmem:$0x1BE00] =	vst v63  }
0x82: {  	_ =	swait.ge [sflag:s21], $0x4000  }
0x83: {  	[sflag:s21] =	ssyncset.done $0x0  }
0x84: {  	[sflag:s21] =	ssyncadd.s32 $0xFFFFC000  }
0x85: {  	_ =	swait.ge [sflag:s22], $0x4000  }
0x86: {  	s30 =	sshll.u32 s0, $0x6;
	s23 =	sadd.s32 $0x1, s23;
	[sflag:s22] =	ssyncset.done $0x0  }
0x87: {  	s31 =	sshrl.u32 s5, $0x3;
	p0 =	sne.s32 s23, s12;
	[sflag:s22] =	ssyncadd.s32 $0xFFFFC000  }
.Ltmp2:
0x88: {  	s24 =	sor.u32 $0x1C03, s30;
	[bflag:$0x0] =	sbarrier.arrive $0xFFFF;
	(pc) =	sbr.rel @p0 .LBB2_1-.Ltmp2, $4  }
0x89: {  	[hbm:s11], [sflag:s24] =	dma.local [spmem:s31], $0x2780  }
0x8a: {  	_ =	swait.ge [sflag:s16], $0x2780  }
0x8b: {  	[sflag:s16] =	ssyncset.done $0x0  }
0x8c: {  	[sflag:s16] =	ssyncadd.s32 $0xFFFFD880  }
0x8d: {  	_ =	sfence.sel $0x180000  }
0x8e: {  	[bflag:$0x0] =	sbarrier.arrive $0xFFFF  }
0x8f: {  	p0 =	sne.s32 s0, $0x0;
	_ =	strace $0x90000047  }
0x90: {  	s0 =	sadd.s32 @!p0 $0x100000, s1;
	[bflag:$0x2] =	sbarrier.arrive $0xFFFF  }
0x91: {  	[sflag:s0] =	ssyncadd.tile.s32 @!p0 $0x1;
	_ =	shalt  }
.Lfunc_end2:
_tile_overlayer_lowered:
.L_overlay_start_2:
0x92: {  	(tag) =	ssettag $0x2  }
0x93: {  	s0 =	rddreg [dreg:$0x0];
	s2 =	stileid.u32  }
0x94: {  	s1 =	rddreg [dreg:$0x1];
	p0 =	sne.s32 s2, $0x0  }
0x95: {  	s3 =	rddreg [dreg:$0x2];
	[bflag:$0x3] =	sbarrier.arrive $0xFFFF;
	s2 =	simm.s32 @!p0 $0x1C03  }
0x96: {  	[timem:s3], [sflag:s2] =	dma.local @!p0 [hbm:s0], s1  }
0x97: {  	s0 =	simm.s32 @!p0 $0x3  }
0x98: {  	_ =	swait.ge @!p0 [sflag:s0], s1  }
0x99: {  	s1 =	ssub.s32 @!p0 $0x0, s1;
	[sflag:s0] =	ssyncset.done @!p0 $0x0  }
0x9a: {  	[sflag:s0] =	ssyncadd.s32 @!p0 s1  }
0x9b: {  	[bflag:$0x3] =	sbarrier.arrive $0xFFFF  }
0x9c: {  	_ =	shalt  }

</sc_bundles>
